<compile_context>
chip_gen: v7x
topology: tpu7x:2x2x1
jax: 0.10.2.dev20260603
libtpu: 0.0.44.dev20260713+nightly
codegen_flags: <defaults>
</compile_context>

<pallas_src>
import functools

import jax
import jax.numpy as jnp
from jax import lax
from jax.experimental import pallas as pl
from jax.experimental.pallas import tpu as pltpu
from jax.experimental.pallas import tpu_sc as plsc

L = 16
NWORK = 32
W = 50000
K = 20480
VPB = 25
NACC = 4
NEG_BIG = -3.0e38


def _select_lane(vec, idx):
    lane = lax.iota(jnp.int32, L)
    return jnp.sum(jnp.where(lane == idx, vec, jnp.zeros_like(vec)))


def _moments_pass(buf, j0, tr, carry, zk_ref):
    in_rng = jnp.logical_and(tr >= j0, tr < j0 + W)
    tloc = jnp.clip(tr - j0, 0, W - 1)

    @pl.when(in_rng)
    def _():
        wbase = pl.multiple_of((tloc // L) * L, L)
        zk_ref[0] = _select_lane(buf[pl.ds(wbase, L)], tloc % L)

    def step(bi, c):
        rm, s1, s2 = c
        base = bi * (VPB * L)
        s1 = list(s1)
        s2 = list(s2)
        bms = []
        for u in range(VPB):
            v = buf[pl.ds(base + u * L, L)]
            s1[u % NACC] = s1[u % NACC] + v
            s2[u % NACC] = s2[u % NACC] + v * v
            if u % NACC == 0:
                bms.append(v)
            else:
                bms[-1] = jnp.maximum(bms[-1], v)
        for b in bms:
            rm = jnp.maximum(rm, b)
        return rm, tuple(s1), tuple(s2)

    return lax.fori_loop(0, W // (VPB * L), step, carry, unroll=False)


def _filter_pass(buf, thrv, cand, offv):
    lanevec = lax.iota(jnp.int32, L)
    lanevec2 = lanevec + L
    kcap = jnp.full((L,), K - (VPB + 1) * L, jnp.int32)
    stepv = jnp.full((L,), 2 * L, jnp.int32)
    stepv1 = jnp.full((L,), L, jnp.int32)
    zerov = jnp.zeros((L,), jnp.int32)

    def step(bi, offv):
        base = bi * (VPB * L)
        offv = jnp.minimum(offv, kcap)
        for u in range(0, VPB - 1, 2):
            v0 = buf[pl.ds(base + u * L, L)]
            v1 = buf[pl.ds(base + (u + 1) * L, L)]
            pcnt = plsc.all_reduce_population_count(
                jnp.maximum(v0, v1) >= thrv)
            plsc.store_scatter(cand, [offv + lanevec], v0)
            plsc.store_scatter(cand, [offv + lanevec2], v1)
            offv = offv + jnp.where(pcnt >= 1, stepv, zerov)
        vl = buf[pl.ds(base + (VPB - 1) * L, L)]
        pcnt = plsc.all_reduce_population_count(vl >= thrv)
        plsc.store_scatter(cand, [offv + lanevec], vl)
        offv = offv + jnp.where(pcnt >= 1, stepv1, zerov)
        return offv

    return lax.fori_loop(0, W // (VPB * L), step, offv, unroll=False)


def _sum_count_above(cand, n, t):
    nv = (n + L - 1) // L
    lane = lax.iota(jnp.int32, L)

    def body(i, c):
        sv, cv = c
        v = cand[pl.ds(i * L, L)]
        valid = (i * L + lane) < n
        msk = jnp.logical_and(v > t, valid)
        sv = sv + jnp.where(msk, v, 0.0)
        cv = cv + jnp.where(msk, 1.0, 0.0)
        return sv, cv

    z = jnp.zeros((L,), jnp.float32)
    sv, cv = lax.fori_loop(0, nv, body, (z, z), unroll=False)
    return jnp.sum(sv), jnp.sum(cv)


def _sparsemax_loss_sc(inp, target, *, b_per_w, ncols):
    mesh = plsc.VectorSubcoreMesh(core_axis_name="c", subcore_axis_name="s")

    @functools.partial(
        pl.kernel,
        out_type=jax.ShapeDtypeStruct((inp.shape[0] // ncols,), jnp.float32),
        mesh=mesh,
        compiler_params=pltpu.CompilerParams(needs_layout_passes=False),
        scratch_types=[
            pltpu.VMEM((W,), jnp.float32),
            pltpu.VMEM((W,), jnp.float32),
            pltpu.VMEM((K,), jnp.float32),
            pltpu.VMEM((b_per_w,), jnp.int32),
            pltpu.VMEM((b_per_w,), jnp.float32),
            pltpu.SMEM((1,), jnp.int32),
            pltpu.SMEM((1,), jnp.float32),
            pltpu.SemaphoreType.DMA,
            pltpu.SemaphoreType.DMA,
        ],
    )
    def k(inp_hbm, tgt_hbm, out_hbm, buf0, buf1, cand, tgt_v, loss_v,
          off_ref, zk_ref, sem0, sem1):
        wid = lax.axis_index("s") * 2 + lax.axis_index("c")
        base = wid * b_per_w
        pltpu.sync_copy(tgt_hbm.at[pl.ds(base, b_per_w)], tgt_v)

        pltpu.async_copy(inp_hbm.at[pl.ds(base * ncols, W)], buf0, sem0)
        pltpu.async_copy(inp_hbm.at[pl.ds(base * ncols + W, W)], buf1, sem1)

        def row_body(rl, laccs):
            r = base + rl
            trf = jnp.float32(0.0)
            for w in range(b_per_w // L):
                tw = tgt_v[pl.ds(w * L, L)].astype(jnp.float32)
                trf = trf + jnp.sum(
                    jnp.where(lax.iota(jnp.int32, L) == rl - w * L, tw,
                              jnp.zeros_like(tw)))
            tr = trf.astype(jnp.int32)
            zk_ref[0] = 0.0

            negv = jnp.full((L,), NEG_BIG, jnp.float32)
            zv = jnp.zeros((L,), jnp.float32)
            carry = (negv, (zv,) * NACC, (zv,) * NACC)

            pltpu.make_async_copy(
                inp_hbm.at[pl.ds(r * ncols, W)], buf0, sem0).wait()
            carry = _moments_pass(buf0, 0, tr, carry, zk_ref)
            pltpu.make_async_copy(
                inp_hbm.at[pl.ds(r * ncols + W, W)], buf1, sem1).wait()
            rm, s1t, s2t = _moments_pass(buf1, W, tr, carry, zk_ref)

            m = jnp.max(rm)
            s1 = jnp.sum(s1t[0] + s1t[1] + s1t[2] + s1t[3])
            s2 = jnp.sum(s2t[0] + s2t[1] + s2t[2] + s2t[3])
            thrv = jnp.full((L,), m - 1.0, jnp.float32)

            offv = _filter_pass(buf0, thrv, cand, jnp.zeros((L,), jnp.int32))

            @pl.when(rl < b_per_w - 1)
            def _():
                pltpu.async_copy(
                    inp_hbm.at[pl.ds((r + 1) * ncols, W)], buf0, sem0)

            offv = _filter_pass(buf1, thrv, cand, offv)

            @pl.when(rl < b_per_w - 1)
            def _():
                pltpu.async_copy(
                    inp_hbm.at[pl.ds((r + 1) * ncols + W, W)], buf1, sem1)

            n = jnp.minimum(offv[0], K)

            def mcond(c):
                t_old, t_new, it = c
                return jnp.logical_and(t_old != t_new, it < 32)

            def mbody(c):
                _, t, it = c
                s, cnt = _sum_count_above(cand, n, t)
                tv = jnp.full((L,), s - 1.0, jnp.float32) / jnp.full(
                    (L,), cnt, jnp.float32)
                return t, tv[0], it + 1

            _, tau_x, _ = lax.while_loop(
                mcond, mbody, (jnp.float32(1.0), jnp.float32(NEG_BIG),
                               jnp.int32(0)))

            lane = lax.iota(jnp.int32, L)

            def corr_body(i, c):
                sv, cv = c
                v = cand[pl.ds(i * L, L)]
                valid = (i * L + lane) < n
                msk = jnp.logical_and(v > tau_x, valid)
                z = v - m
                sv = sv + jnp.where(msk, z * z, 0.0)
                cv = cv + jnp.where(msk, 1.0, 0.0)
                return sv, cv

            sv, cv = lax.fori_loop(0, (n + L - 1) // L, corr_body, (zv, zv),
                                   unroll=False)
            corr = jnp.sum(sv)
            cnt = jnp.sum(cv)

            t2 = s2 - 2.0 * m * s1 + jnp.float32(ncols) * m * m
            tau_z = tau_x - m
            s2t_ = t2 - corr - tau_z * tau_z * (jnp.float32(ncols) - cnt)
            lossval = 0.5 * (s2t_ + 1.0) - zk_ref[0]
            return tuple(
                laccs[w] + jnp.where(lane == rl - w * L,
                                     jnp.full((L,), lossval, jnp.float32),
                                     jnp.zeros((L,), jnp.float32))
                for w in range(b_per_w // L))

        laccs = lax.fori_loop(
            0, b_per_w, row_body,
            tuple(jnp.zeros((L,), jnp.float32) for _ in range(b_per_w // L)),
            unroll=False)
        for w in range(b_per_w // L):
            loss_v[pl.ds(w * L, L)] = laccs[w]
        pltpu.sync_copy(loss_v, out_hbm.at[pl.ds(base, b_per_w)])

    return k(inp, target)


def kernel(input, target):
    B, C = input.shape
    assert B % NWORK == 0 and B // NWORK % L == 0
    assert C == 2 * W and W % (VPB * L) == 0 and W % 8 == 0
    losses = _sparsemax_loss_sc(
        input.reshape(-1), target.astype(jnp.int32), b_per_w=B // NWORK,
        ncols=C)
    return jnp.mean(losses)

# --- scband reference (transcript-rebuilt; emitter-appended) ---
"""Pipeline reference for scband-single-label-sparsemax-loss-11940009083408 (READ-ONLY COPY).

The authoritative reference and input builder live on the scoring server;
editing this copy changes nothing except your own understanding.
"""

import jax, jax.numpy as jnp
import numpy as np


def setup_inputs(seed: int = 0) -> dict:
    key = jax.random.key(seed)
    k1, k2 = jax.random.split(key)
    B, C = 1024, 100000
    inp = jax.random.normal(k1, (B, C), dtype=jnp.float32)
    target = jax.random.randint(k2, (B,), 0, C, dtype=jnp.int64 if jax.config.jax_enable_x64 else jnp.int32)
    return {"input": inp, "target": target}


def reference(input, target):
    B, C = input.shape
    dtype = input.dtype
    batch_idx = jnp.arange(B)
    # z_k taken from the ORIGINAL (unshifted) input, exactly as in the torch code
    z_k = input[batch_idx, target]
    # shift by row max for numerical stability
    shifted = input - jnp.max(input, axis=-1, keepdims=True)
    # sort descending
    zs = -jnp.sort(-shifted, axis=-1)
    rng = jnp.arange(1, C + 1, dtype=dtype)[None, :]
    bound = 1.0 + rng * zs
    is_gt = (bound > jnp.cumsum(zs, axis=-1)).astype(dtype)
    k = jnp.max(is_gt * rng, axis=-1, keepdims=True)
    zs_sparse = is_gt * zs
    taus = (jnp.sum(zs_sparse, axis=-1, keepdims=True) - 1.0) / k
    z2 = jnp.square(shifted)
    t2 = jnp.square(taus)
    z_t2 = jnp.sum(jnp.maximum(jnp.zeros_like(shifted), z2 - t2), axis=1)
    loss = 0.5 * (z_t2 + 1.0) - z_k
    # reduction = 'mean'
    return jnp.mean(loss)

if __name__ == "__main__":
    import jax
    _d = setup_inputs()
    print(jax.jit(kernel)(*tuple(_d.values())))

</pallas_src>

<mosaic_0001>
#map = affine_map<(d0, d1) -> (0)>
module attributes {stable_mosaic.version = 14 : i64} {
  func.func @k(%arg0: i32, %arg1: i32, %arg2: memref<102400000xf32, #tpu.memory_space<hbm>>, %arg3: memref<1024xi32, #tpu.memory_space<hbm>>, %arg4: memref<1024xf32, #tpu.memory_space<hbm>>, %arg5: memref<50000xf32, #tpu.memory_space<vmem>>, %arg6: memref<50000xf32, #tpu.memory_space<vmem>>, %arg7: memref<20480xf32, #tpu.memory_space<vmem>>, %arg8: memref<32xi32, #tpu.memory_space<vmem>>, %arg9: memref<32xf32, #tpu.memory_space<vmem>>, %arg10: memref<1xi32, #tpu.memory_space<smem>>, %arg11: memref<1xf32, #tpu.memory_space<smem>>, %arg12: memref<!tpu.dma_semaphore, #tpu.memory_space<semaphore_mem>>, %arg13: memref<!tpu.dma_semaphore, #tpu.memory_space<semaphore_mem>>) attributes {dimension_semantics = [#tpu.dimension_semantics<core_parallel>, #tpu.dimension_semantics<subcore_parallel>], iteration_bounds = array<i64: 2, 16>, scalar_prefetch = 0 : i64, scratch_operands = 9 : i64, tpu.core_type = #tpu.core_type<sc_vector_subcore>, window_params = [{transform_indices = #map}, {transform_indices = #map}, {transform_indices = #map}]} {
    %mul3A = arith.constant 2 : i32
    %mul3A_0 = arith.muli %arg1, %mul3A : i32
    %add3A = arith.addi %mul3A_0, %arg0 : i32
    %mul3A_1 = arith.constant 32 : i32
    %mul3A_2 = arith.muli %add3A, %mul3A_1 : i32
    "tpu.region"() ({
      %run_scoped3A = tpu.sem_alloc : memref<!tpu.dma_semaphore, #tpu.memory_space<semaphore_mem>>
      %dma_start3A_23 = tpu.memref_slice %arg3[%mul3A_2] : memref<1024xi32, #tpu.memory_space<hbm>> -> memref<32xi32, #tpu.memory_space<hbm>>
      %dma_start3A_24 = tpu.memref_slice %arg3[%mul3A_2] : memref<1024xi32, #tpu.memory_space<hbm>> -> memref<32xi32, #tpu.memory_space<hbm>>
      tpu.enqueue_dma source(%dma_start3A_24 : memref<32xi32, #tpu.memory_space<hbm>>) target(%arg8 : memref<32xi32, #tpu.memory_space<vmem>>) target_semaphore(%run_scoped3A : memref<!tpu.dma_semaphore, #tpu.memory_space<semaphore_mem>>)
      %dma_wait3A = tpu.memref_slice %arg3[%mul3A_2] : memref<1024xi32, #tpu.memory_space<hbm>> -> memref<32xi32, #tpu.memory_space<hbm>>
      %dma_wait3A_25 = tpu.memref_slice %arg3[%mul3A_2] : memref<1024xi32, #tpu.memory_space<hbm>> -> memref<32xi32, #tpu.memory_space<hbm>>
      tpu.wait_dma2 semaphore(%run_scoped3A : memref<!tpu.dma_semaphore, #tpu.memory_space<semaphore_mem>>) src(%dma_wait3A_25 : memref<32xi32, #tpu.memory_space<hbm>>) dst(%arg8 : memref<32xi32, #tpu.memory_space<vmem>>)
      tpu.yield
    }) : () -> ()
    %mul3A_3 = arith.constant 100000 : i32
    %mul3A_4 = arith.muli %mul3A_2, %mul3A_3 : i32
    %dma_start3A = tpu.memref_slice %arg2[%mul3A_4] : memref<102400000xf32, #tpu.memory_space<hbm>> -> memref<50000xf32, #tpu.memory_space<hbm>>
    %dma_start3A_5 = tpu.memref_slice %arg2[%mul3A_4] : memref<102400000xf32, #tpu.memory_space<hbm>> -> memref<50000xf32, #tpu.memory_space<hbm>>
    tpu.enqueue_dma source(%dma_start3A_5 : memref<50000xf32, #tpu.memory_space<hbm>>) target(%arg5 : memref<50000xf32, #tpu.memory_space<vmem>>) target_semaphore(%arg12 : memref<!tpu.dma_semaphore, #tpu.memory_space<semaphore_mem>>)
    %mul3A_6 = arith.constant 100000 : i32
    %mul3A_7 = arith.muli %mul3A_2, %mul3A_6 : i32
    %add3A_8 = arith.constant 50000 : i32
    %add3A_9 = arith.addi %mul3A_7, %add3A_8 : i32
    %dma_start3A_10 = tpu.memref_slice %arg2[%add3A_9] : memref<102400000xf32, #tpu.memory_space<hbm>> -> memref<50000xf32, #tpu.memory_space<hbm>>
    %dma_start3A_11 = tpu.memref_slice %arg2[%add3A_9] : memref<102400000xf32, #tpu.memory_space<hbm>> -> memref<50000xf32, #tpu.memory_space<hbm>>
    tpu.enqueue_dma source(%dma_start3A_11 : memref<50000xf32, #tpu.memory_space<hbm>>) target(%arg6 : memref<50000xf32, #tpu.memory_space<vmem>>) target_semaphore(%arg13 : memref<!tpu.dma_semaphore, #tpu.memory_space<semaphore_mem>>)
    %broadcast_in_dim3A = arith.constant 0.000000e+00 : f32
    %broadcast_in_dim3A_12 = vector.broadcast %broadcast_in_dim3A : f32 to vector<16xf32>
    %broadcast_in_dim3A_13 = arith.constant 0.000000e+00 : f32
    %broadcast_in_dim3A_14 = vector.broadcast %broadcast_in_dim3A_13 : f32 to vector<16xf32>
    %scan3A = arith.constant 0 : i32
    %scan3A_15 = arith.constant 32 : i32
    %scan3A_16 = arith.addi %scan3A, %scan3A_15 : i32
    %scan3A_17 = arith.constant 1 : i32
    %scan3A_18:2 = scf.for %scan3A_23 = %scan3A to %scan3A_16 step %scan3A_17 iter_args(%scan3A_24 = %broadcast_in_dim3A_12, %scan3A_25 = %broadcast_in_dim3A_14) -> (vector<16xf32>, vector<16xf32>)  : i32 {
      %add3A_26 = arith.addi %mul3A_2, %scan3A_23 : i32
      %get3A = arith.constant 0 : index
      %get3A_27 = tpu.vector_load %arg8[%get3A] {strides = array<i32>} : memref<32xi32, #tpu.memory_space<vmem>>, vector<16xi32>,
      %convert_element_type3A = arith.sitofp %get3A_27 : vector<16xi32> to vector<16xf32>
      %iota3A = tpu.iota {dimensions = array<i32: 0>} : vector<16xi32>
      %sub3A = arith.constant 0 : i32
      %sub3A_28 = arith.subi %scan3A_23, %sub3A : i32
      %eq3A = vector.broadcast %sub3A_28 : i32 to vector<16xi32>
      %eq3A_29 = arith.cmpi eq, %iota3A, %eq3A : vector<16xi32>
      %broadcast_in_dim3A_30 = arith.constant 0.000000e+00 : f32
      %broadcast_in_dim3A_31 = vector.broadcast %broadcast_in_dim3A_30 : f32 to vector<16xf32>
      %select_n3A = arith.select %eq3A_29, %convert_element_type3A, %broadcast_in_dim3A_31 : vector<16xi1>, vector<16xf32>
      %reduce_sum3A = arith.constant true
      %reduce_sum3A_32 = vector.broadcast %reduce_sum3A : i1 to vector<16xi1>
      %reduce_sum3A_33 = tpu.scan <sum>, %select_n3A masked %reduce_sum3A_32 : vector<16xf32>, vector<16xi1> -> vector<16xf32>
      %reduce_sum3A_34 = vector.extract %reduce_sum3A_33[15] : f32 from vector<16xf32>
      %add3A_35 = arith.constant 0.000000e+00 : f32
      %add3A_36 = arith.addf %add3A_35, %reduce_sum3A_34 : f32
      %get3A_37 = arith.constant 16 : index
      %get3A_38 = tpu.vector_load %arg8[%get3A_37] {strides = array<i32>} : memref<32xi32, #tpu.memory_space<vmem>>, vector<16xi32>,
      %convert_element_type3A_39 = arith.sitofp %get3A_38 : vector<16xi32> to vector<16xf32>
      %iota3A_40 = tpu.iota {dimensions = array<i32: 0>} : vector<16xi32>
      %sub3A_41 = arith.constant 16 : i32
      %sub3A_42 = arith.subi %scan3A_23, %sub3A_41 : i32
      %eq3A_43 = vector.broadcast %sub3A_42 : i32 to vector<16xi32>
      %eq3A_44 = arith.cmpi eq, %iota3A_40, %eq3A_43 : vector<16xi32>
      %broadcast_in_dim3A_45 = arith.constant 0.000000e+00 : f32
      %broadcast_in_dim3A_46 = vector.broadcast %broadcast_in_dim3A_45 : f32 to vector<16xf32>
      %select_n3A_47 = arith.select %eq3A_44, %convert_element_type3A_39, %broadcast_in_dim3A_46 : vector<16xi1>, vector<16xf32>
      %reduce_sum3A_48 = arith.constant true
      %reduce_sum3A_49 = vector.broadcast %reduce_sum3A_48 : i1 to vector<16xi1>
      %reduce_sum3A_50 = tpu.scan <sum>, %select_n3A_47 masked %reduce_sum3A_49 : vector<16xf32>, vector<16xi1> -> vector<16xf32>
      %reduce_sum3A_51 = vector.extract %reduce_sum3A_50[15] : f32 from vector<16xf32>
      %add3A_52 = arith.addf %add3A_36, %reduce_sum3A_51 : f32
      %convert_element_type3A_53 = arith.fptosi %add3A_52 : f32 to i32
      %swap3A_54 = arith.constant 0.000000e+00 : f32
      %swap3A_55 = arith.constant 0 : i32
      %swap3A_56 = arith.index_cast %swap3A_55 : i32 to index
      %swap3A_57 = memref.load %arg11[%swap3A_56] : memref<1xf32, #tpu.memory_space<smem>>
      memref.store %swap3A_54, %arg11[%swap3A_56] : memref<1xf32, #tpu.memory_space<smem>>
      %broadcast_in_dim3A_58 = arith.constant -3.000000e+38 : f32
      %broadcast_in_dim3A_59 = vector.broadcast %broadcast_in_dim3A_58 : f32 to vector<16xf32>
      %broadcast_in_dim3A_60 = arith.constant 0.000000e+00 : f32
      %broadcast_in_dim3A_61 = vector.broadcast %broadcast_in_dim3A_60 : f32 to vector<16xf32>
      %mul3A_62 = arith.constant 100000 : i32
      %mul3A_63 = arith.muli %add3A_26, %mul3A_62 : i32
      %dma_wait3A = tpu.memref_slice %arg2[%mul3A_63] : memref<102400000xf32, #tpu.memory_space<hbm>> -> memref<50000xf32, #tpu.memory_space<hbm>>
      %dma_wait3A_64 = tpu.memref_slice %arg2[%mul3A_63] : memref<102400000xf32, #tpu.memory_space<hbm>> -> memref<50000xf32, #tpu.memory_space<hbm>>
      tpu.wait_dma2 semaphore(%arg12 : memref<!tpu.dma_semaphore, #tpu.memory_space<semaphore_mem>>) src(%dma_wait3A_64 : memref<50000xf32, #tpu.memory_space<hbm>>) dst(%arg5 : memref<50000xf32, #tpu.memory_space<vmem>>)
      %ge3A = arith.constant 0 : i32
      %ge3A_65 = arith.cmpi sge, %convert_element_type3A_53, %ge3A : i32
      %lt3A = arith.constant 50000 : i32
      %lt3A_66 = arith.cmpi slt, %convert_element_type3A_53, %lt3A : i32
      %and3A = arith.andi %ge3A_65, %lt3A_66 : i1
      %sub3A_67 = arith.constant 0 : i32
      %sub3A_68 = arith.subi %convert_element_type3A_53, %sub3A_67 : i32
      %jit3A = arith.constant 0 : i32
      %jit3A_69 = arith.constant 49999 : i32
      %max3A = arith.maxsi %jit3A, %sub3A_68 : i32
      %min3A = arith.minsi %jit3A_69, %max3A : i32
      %convert_element_type3A_70 = arith.extui %and3A : i1 to i32
      %cond3A = arith.constant 0 : i32
      %cond3A_71 = arith.cmpi ne, %convert_element_type3A_70, %cond3A : i32
      scf.if %cond3A_71 {
        %jit3A_262 = arith.constant 16 : i32
        %div3A_263 = arith.divsi %min3A, %jit3A_262 : i32
        %sign3A_264 = arith.constant 0 : i32
        %sign3A_265 = arith.cmpi sgt, %min3A, %sign3A_264 : i32
        %sign3A_266 = arith.extui %sign3A_265 : i1 to i32
        %sign3A_267 = arith.constant 0 : i32
        %sign3A_268 = arith.cmpi slt, %min3A, %sign3A_267 : i32
        %sign3A_269 = arith.extui %sign3A_268 : i1 to i32
        %sign3A_270 = arith.subi %sign3A_266, %sign3A_269 : i32
        %sign3A_271 = arith.constant 0 : i32
        %sign3A_272 = arith.cmpi sgt, %jit3A_262, %sign3A_271 : i32
        %sign3A_273 = arith.extui %sign3A_272 : i1 to i32
        %sign3A_274 = arith.constant 0 : i32
        %sign3A_275 = arith.cmpi slt, %jit3A_262, %sign3A_274 : i32
        %sign3A_276 = arith.extui %sign3A_275 : i1 to i32
        %sign3A_277 = arith.subi %sign3A_273, %sign3A_276 : i32
        %ne3A_278 = arith.cmpi ne, %sign3A_270, %sign3A_277 : i32
        %rem3A_279 = arith.remsi %min3A, %jit3A_262 : i32
        %ne3A_280 = arith.constant 0 : i32
        %ne3A_281 = arith.cmpi ne, %rem3A_279, %ne3A_280 : i32
        %and3A_282 = arith.andi %ne3A_278, %ne3A_281 : i1
        %sub3A_283 = arith.constant 1 : i32
        %sub3A_284 = arith.subi %div3A_263, %sub3A_283 : i32
        %select_n3A_285 = arith.select %and3A_282, %sub3A_284, %div3A_263 : i32
        %mul3A_286 = arith.constant 16 : i32
        %mul3A_287 = arith.muli %select_n3A_285, %mul3A_286 : i32
        %multiple_of3A = tpu.assume_multiple %mul3A_287, 16 : i32
        %get3A_288 = arith.index_cast %multiple_of3A : i32 to index
        %get3A_289 = tpu.vector_load %arg5[%get3A_288] {strides = array<i32>} : memref<50000xf32, #tpu.memory_space<vmem>>, vector<16xf32>,
        %jit3A_290 = arith.constant 16 : i32
        %eq3A_291 = arith.constant 0 : i32
        %eq3A_292 = arith.cmpi eq, %jit3A_290, %eq3A_291 : i32
        %jit3A_293 = arith.constant 1 : i32
        %select_n3A_294 = arith.select %eq3A_292, %jit3A_293, %jit3A_290 : i32
        %rem3A_295 = arith.remsi %min3A, %select_n3A_294 : i32
        %ne3A_296 = arith.constant 0 : i32
        %ne3A_297 = arith.cmpi ne, %rem3A_295, %ne3A_296 : i32
        %lt3A_298 = arith.constant 0 : i32
        %lt3A_299 = arith.cmpi slt, %rem3A_295, %lt3A_298 : i32
        %lt3A_300 = arith.constant 0 : i32
        %lt3A_301 = arith.cmpi slt, %select_n3A_294, %lt3A_300 : i32
        %ne3A_302 = arith.xori %lt3A_299, %lt3A_301 : i1
        %and3A_303 = arith.andi %ne3A_302, %ne3A_297 : i1
        %add3A_304 = arith.addi %rem3A_295, %select_n3A_294 : i32
        %select_n3A_305 = arith.select %and3A_303, %add3A_304, %rem3A_295 : i32
        %iota3A_306 = tpu.iota {dimensions = array<i32: 0>} : vector<16xi32>
        %eq3A_307 = vector.broadcast %select_n3A_305 : i32 to vector<16xi32>
        %eq3A_308 = arith.cmpi eq, %iota3A_306, %eq3A_307 : vector<16xi32>
        %broadcast_in_dim3A_309 = arith.constant 0.000000e+00 : f32
        %broadcast_in_dim3A_310 = vector.broadcast %broadcast_in_dim3A_309 : f32 to vector<16xf32>
        %select_n3A_311 = arith.select %eq3A_308, %get3A_289, %broadcast_in_dim3A_310 : vector<16xi1>, vector<16xf32>
        %reduce_sum3A_312 = arith.constant true
        %reduce_sum3A_313 = vector.broadcast %reduce_sum3A_312 : i1 to vector<16xi1>
        %reduce_sum3A_314 = tpu.scan <sum>, %select_n3A_311 masked %reduce_sum3A_313 : vector<16xf32>, vector<16xi1> -> vector<16xf32>
        %reduce_sum3A_315 = vector.extract %reduce_sum3A_314[15] : f32 from vector<16xf32>
        %swap3A_316 = arith.constant 0 : i32
        %swap3A_317 = arith.index_cast %swap3A_316 : i32 to index
        %swap3A_318 = memref.load %arg11[%swap3A_317] : memref<1xf32, #tpu.memory_space<smem>>
        memref.store %reduce_sum3A_315, %arg11[%swap3A_317] : memref<1xf32, #tpu.memory_space<smem>>
      } else {
      }
      %scan3A_72 = arith.constant 0 : i32
      %scan3A_73 = arith.constant 125 : i32
      %scan3A_74 = arith.addi %scan3A_72, %scan3A_73 : i32
      %scan3A_75 = arith.constant 1 : i32
      %scan3A_76:9 = scf.for %scan3A_262 = %scan3A_72 to %scan3A_74 step %scan3A_75 iter_args(%scan3A_263 = %broadcast_in_dim3A_59, %scan3A_264 = %broadcast_in_dim3A_61, %scan3A_265 = %broadcast_in_dim3A_61, %scan3A_266 = %broadcast_in_dim3A_61, %scan3A_267 = %broadcast_in_dim3A_61, %scan3A_268 = %broadcast_in_dim3A_61, %scan3A_269 = %broadcast_in_dim3A_61, %scan3A_270 = %broadcast_in_dim3A_61, %scan3A_271 = %broadcast_in_dim3A_61) -> (vector<16xf32>, vector<16xf32>, vector<16xf32>, vector<16xf32>, vector<16xf32>, vector<16xf32>, vector<16xf32>, vector<16xf32>, vector<16xf32>)  : i32 {
        %mul3A_272 = arith.constant 400 : i32
        %mul3A_273 = arith.muli %scan3A_262, %mul3A_272 : i32
        %add3A_274 = arith.constant 0 : i32
        %add3A_275 = arith.addi %mul3A_273, %add3A_274 : i32
        %get3A_276 = arith.index_cast %add3A_275 : i32 to index
        %get3A_277 = tpu.vector_load %arg5[%get3A_276] {strides = array<i32>} : memref<50000xf32, #tpu.memory_space<vmem>>, vector<16xf32>,
        %add3A_278 = arith.addf %scan3A_264, %get3A_277 : vector<16xf32>
        %mul3A_279 = arith.mulf %get3A_277, %get3A_277 : vector<16xf32>
        %add3A_280 = arith.addf %scan3A_268, %mul3A_279 : vector<16xf32>
        %add3A_281 = arith.constant 16 : i32
        %add3A_282 = arith.addi %mul3A_273, %add3A_281 : i32
        %get3A_283 = arith.index_cast %add3A_282 : i32 to index
        %get3A_284 = tpu.vector_load %arg5[%get3A_283] {strides = array<i32>} : memref<50000xf32, #tpu.memory_space<vmem>>, vector<16xf32>,
        %add3A_285 = arith.addf %scan3A_265, %get3A_284 : vector<16xf32>
        %mul3A_286 = arith.mulf %get3A_284, %get3A_284 : vector<16xf32>
        %add3A_287 = arith.addf %scan3A_269, %mul3A_286 : vector<16xf32>
        %max3A_288 = arith.maximumf %get3A_277, %get3A_284 : vector<16xf32>
        %add3A_289 = arith.constant 32 : i32
        %add3A_290 = arith.addi %mul3A_273, %add3A_289 : i32
        %get3A_291 = arith.index_cast %add3A_290 : i32 to index
        %get3A_292 = tpu.vector_load %arg5[%get3A_291] {strides = array<i32>} : memref<50000xf32, #tpu.memory_space<vmem>>, vector<16xf32>,
        %add3A_293 = arith.addf %scan3A_266, %get3A_292 : vector<16xf32>
        %mul3A_294 = arith.mulf %get3A_292, %get3A_292 : vector<16xf32>
        %add3A_295 = arith.addf %scan3A_270, %mul3A_294 : vector<16xf32>
        %max3A_296 = arith.maximumf %max3A_288, %get3A_292 : vector<16xf32>
        %add3A_297 = arith.constant 48 : i32
        %add3A_298 = arith.addi %mul3A_273, %add3A_297 : i32
        %get3A_299 = arith.index_cast %add3A_298 : i32 to index
        %get3A_300 = tpu.vector_load %arg5[%get3A_299] {strides = array<i32>} : memref<50000xf32, #tpu.memory_space<vmem>>, vector<16xf32>,
        %add3A_301 = arith.addf %scan3A_267, %get3A_300 : vector<16xf32>
        %mul3A_302 = arith.mulf %get3A_300, %get3A_300 : vector<16xf32>
        %add3A_303 = arith.addf %scan3A_271, %mul3A_302 : vector<16xf32>
        %max3A_304 = arith.maximumf %max3A_296, %get3A_300 : vector<16xf32>
        %add3A_305 = arith.constant 64 : i32
        %add3A_306 = arith.addi %mul3A_273, %add3A_305 : i32
        %get3A_307 = arith.index_cast %add3A_306 : i32 to index
        %get3A_308 = tpu.vector_load %arg5[%get3A_307] {strides = array<i32>} : memref<50000xf32, #tpu.memory_space<vmem>>, vector<16xf32>,
        %add3A_309 = arith.addf %add3A_278, %get3A_308 : vector<16xf32>
        %mul3A_310 = arith.mulf %get3A_308, %get3A_308 : vector<16xf32>
        %add3A_311 = arith.addf %add3A_280, %mul3A_310 : vector<16xf32>
        %add3A_312 = arith.constant 80 : i32
        %add3A_313 = arith.addi %mul3A_273, %add3A_312 : i32
        %get3A_314 = arith.index_cast %add3A_313 : i32 to index
        %get3A_315 = tpu.vector_load %arg5[%get3A_314] {strides = array<i32>} : memref<50000xf32, #tpu.memory_space<vmem>>, vector<16xf32>,
        %add3A_316 = arith.addf %add3A_285, %get3A_315 : vector<16xf32>
        %mul3A_317 = arith.mulf %get3A_315, %get3A_315 : vector<16xf32>
        %add3A_318 = arith.addf %add3A_287, %mul3A_317 : vector<16xf32>
        %max3A_319 = arith.maximumf %get3A_308, %get3A_315 : vector<16xf32>
        %add3A_320 = arith.constant 96 : i32
        %add3A_321 = arith.addi %mul3A_273, %add3A_320 : i32
        %get3A_322 = arith.index_cast %add3A_321 : i32 to index
        %get3A_323 = tpu.vector_load %arg5[%get3A_322] {strides = array<i32>} : memref<50000xf32, #tpu.memory_space<vmem>>, vector<16xf32>,
        %add3A_324 = arith.addf %add3A_293, %get3A_323 : vector<16xf32>
        %mul3A_325 = arith.mulf %get3A_323, %get3A_323 : vector<16xf32>
        %add3A_326 = arith.addf %add3A_295, %mul3A_325 : vector<16xf32>
        %max3A_327 = arith.maximumf %max3A_319, %get3A_323 : vector<16xf32>
        %add3A_328 = arith.constant 112 : i32
        %add3A_329 = arith.addi %mul3A_273, %add3A_328 : i32
        %get3A_330 = arith.index_cast %add3A_329 : i32 to index
        %get3A_331 = tpu.vector_load %arg5[%get3A_330] {strides = array<i32>} : memref<50000xf32, #tpu.memory_space<vmem>>, vector<16xf32>,
        %add3A_332 = arith.addf %add3A_301, %get3A_331 : vector<16xf32>
        %mul3A_333 = arith.mulf %get3A_331, %get3A_331 : vector<16xf32>
        %add3A_334 = arith.addf %add3A_303, %mul3A_333 : vector<16xf32>
        %max3A_335 = arith.maximumf %max3A_327, %get3A_331 : vector<16xf32>
        %add3A_336 = arith.constant 128 : i32
        %add3A_337 = arith.addi %mul3A_273, %add3A_336 : i32
        %get3A_338 = arith.index_cast %add3A_337 : i32 to index
        %get3A_339 = tpu.vector_load %arg5[%get3A_338] {strides = array<i32>} : memref<50000xf32, #tpu.memory_space<vmem>>, vector<16xf32>,
        %add3A_340 = arith.addf %add3A_309, %get3A_339 : vector<16xf32>
        %mul3A_341 = arith.mulf %get3A_339, %get3A_339 : vector<16xf32>
        %add3A_342 = arith.addf %add3A_311, %mul3A_341 : vector<16xf32>
        %add3A_343 = arith.constant 144 : i32
        %add3A_344 = arith.addi %mul3A_273, %add3A_343 : i32
        %get3A_345 = arith.index_cast %add3A_344 : i32 to index
        %get3A_346 = tpu.vector_load %arg5[%get3A_345] {strides = array<i32>} : memref<50000xf32, #tpu.memory_space<vmem>>, vector<16xf32>,
        %add3A_347 = arith.addf %add3A_316, %get3A_346 : vector<16xf32>
        %mul3A_348 = arith.mulf %get3A_346, %get3A_346 : vector<16xf32>
        %add3A_349 = arith.addf %add3A_318, %mul3A_348 : vector<16xf32>
        %max3A_350 = arith.maximumf %get3A_339, %get3A_346 : vector<16xf32>
        %add3A_351 = arith.constant 160 : i32
        %add3A_352 = arith.addi %mul3A_273, %add3A_351 : i32
        %get3A_353 = arith.index_cast %add3A_352 : i32 to index
        %get3A_354 = tpu.vector_load %arg5[%get3A_353] {strides = array<i32>} : memref<50000xf32, #tpu.memory_space<vmem>>, vector<16xf32>,
        %add3A_355 = arith.addf %add3A_324, %get3A_354 : vector<16xf32>
        %mul3A_356 = arith.mulf %get3A_354, %get3A_354 : vector<16xf32>
        %add3A_357 = arith.addf %add3A_326, %mul3A_356 : vector<16xf32>
        %max3A_358 = arith.maximumf %max3A_350, %get3A_354 : vector<16xf32>
        %add3A_359 = arith.constant 176 : i32
        %add3A_360 = arith.addi %mul3A_273, %add3A_359 : i32
        %get3A_361 = arith.index_cast %add3A_360 : i32 to index
        %get3A_362 = tpu.vector_load %arg5[%get3A_361] {strides = array<i32>} : memref<50000xf32, #tpu.memory_space<vmem>>, vector<16xf32>,
        %add3A_363 = arith.addf %add3A_332, %get3A_362 : vector<16xf32>
        %mul3A_364 = arith.mulf %get3A_362, %get3A_362 : vector<16xf32>
        %add3A_365 = arith.addf %add3A_334, %mul3A_364 : vector<16xf32>
        %max3A_366 = arith.maximumf %max3A_358, %get3A_362 : vector<16xf32>
        %add3A_367 = arith.constant 192 : i32
        %add3A_368 = arith.addi %mul3A_273, %add3A_367 : i32
        %get3A_369 = arith.index_cast %add3A_368 : i32 to index
        %get3A_370 = tpu.vector_load %arg5[%get3A_369] {strides = array<i32>} : memref<50000xf32, #tpu.memory_space<vmem>>, vector<16xf32>,
        %add3A_371 = arith.addf %add3A_340, %get3A_370 : vector<16xf32>
        %mul3A_372 = arith.mulf %get3A_370, %get3A_370 : vector<16xf32>
        %add3A_373 = arith.addf %add3A_342, %mul3A_372 : vector<16xf32>
        %add3A_374 = arith.constant 208 : i32
        %add3A_375 = arith.addi %mul3A_273, %add3A_374 : i32
        %get3A_376 = arith.index_cast %add3A_375 : i32 to index
        %get3A_377 = tpu.vector_load %arg5[%get3A_376] {strides = array<i32>} : memref<50000xf32, #tpu.memory_space<vmem>>, vector<16xf32>,
        %add3A_378 = arith.addf %add3A_347, %get3A_377 : vector<16xf32>
        %mul3A_379 = arith.mulf %get3A_377, %get3A_377 : vector<16xf32>
        %add3A_380 = arith.addf %add3A_349, %mul3A_379 : vector<16xf32>
        %max3A_381 = arith.maximumf %get3A_370, %get3A_377 : vector<16xf32>
        %add3A_382 = arith.constant 224 : i32
        %add3A_383 = arith.addi %mul3A_273, %add3A_382 : i32
        %get3A_384 = arith.index_cast %add3A_383 : i32 to index
        %get3A_385 = tpu.vector_load %arg5[%get3A_384] {strides = array<i32>} : memref<50000xf32, #tpu.memory_space<vmem>>, vector<16xf32>,
        %add3A_386 = arith.addf %add3A_355, %get3A_385 : vector<16xf32>
        %mul3A_387 = arith.mulf %get3A_385, %get3A_385 : vector<16xf32>
        %add3A_388 = arith.addf %add3A_357, %mul3A_387 : vector<16xf32>
        %max3A_389 = arith.maximumf %max3A_381, %get3A_385 : vector<16xf32>
        %add3A_390 = arith.constant 240 : i32
        %add3A_391 = arith.addi %mul3A_273, %add3A_390 : i32
        %get3A_392 = arith.index_cast %add3A_391 : i32 to index
        %get3A_393 = tpu.vector_load %arg5[%get3A_392] {strides = array<i32>} : memref<50000xf32, #tpu.memory_space<vmem>>, vector<16xf32>,
        %add3A_394 = arith.addf %add3A_363, %get3A_393 : vector<16xf32>
        %mul3A_395 = arith.mulf %get3A_393, %get3A_393 : vector<16xf32>
        %add3A_396 = arith.addf %add3A_365, %mul3A_395 : vector<16xf32>
        %max3A_397 = arith.maximumf %max3A_389, %get3A_393 : vector<16xf32>
        %add3A_398 = arith.constant 256 : i32
        %add3A_399 = arith.addi %mul3A_273, %add3A_398 : i32
        %get3A_400 = arith.index_cast %add3A_399 : i32 to index
        %get3A_401 = tpu.vector_load %arg5[%get3A_400] {strides = array<i32>} : memref<50000xf32, #tpu.memory_space<vmem>>, vector<16xf32>,
        %add3A_402 = arith.addf %add3A_371, %get3A_401 : vector<16xf32>
        %mul3A_403 = arith.mulf %get3A_401, %get3A_401 : vector<16xf32>
        %add3A_404 = arith.addf %add3A_373, %mul3A_403 : vector<16xf32>
        %add3A_405 = arith.constant 272 : i32
        %add3A_406 = arith.addi %mul3A_273, %add3A_405 : i32
        %get3A_407 = arith.index_cast %add3A_406 : i32 to index
        %get3A_408 = tpu.vector_load %arg5[%get3A_407] {strides = array<i32>} : memref<50000xf32, #tpu.memory_space<vmem>>, vector<16xf32>,
        %add3A_409 = arith.addf %add3A_378, %get3A_408 : vector<16xf32>
        %mul3A_410 = arith.mulf %get3A_408, %get3A_408 : vector<16xf32>
        %add3A_411 = arith.addf %add3A_380, %mul3A_410 : vector<16xf32>
        %max3A_412 = arith.maximumf %get3A_401, %get3A_408 : vector<16xf32>
        %add3A_413 = arith.constant 288 : i32
        %add3A_414 = arith.addi %mul3A_273, %add3A_413 : i32
        %get3A_415 = arith.index_cast %add3A_414 : i32 to index
        %get3A_416 = tpu.vector_load %arg5[%get3A_415] {strides = array<i32>} : memref<50000xf32, #tpu.memory_space<vmem>>, vector<16xf32>,
        %add3A_417 = arith.addf %add3A_386, %get3A_416 : vector<16xf32>
        %mul3A_418 = arith.mulf %get3A_416, %get3A_416 : vector<16xf32>
        %add3A_419 = arith.addf %add3A_388, %mul3A_418 : vector<16xf32>
        %max3A_420 = arith.maximumf %max3A_412, %get3A_416 : vector<16xf32>
        %add3A_421 = arith.constant 304 : i32
        %add3A_422 = arith.addi %mul3A_273, %add3A_421 : i32
        %get3A_423 = arith.index_cast %add3A_422 : i32 to index
        %get3A_424 = tpu.vector_load %arg5[%get3A_423] {strides = array<i32>} : memref<50000xf32, #tpu.memory_space<vmem>>, vector<16xf32>,
        %add3A_425 = arith.addf %add3A_394, %get3A_424 : vector<16xf32>
        %mul3A_426 = arith.mulf %get3A_424, %get3A_424 : vector<16xf32>
        %add3A_427 = arith.addf %add3A_396, %mul3A_426 : vector<16xf32>
        %max3A_428 = arith.maximumf %max3A_420, %get3A_424 : vector<16xf32>
        %add3A_429 = arith.constant 320 : i32
        %add3A_430 = arith.addi %mul3A_273, %add3A_429 : i32
        %get3A_431 = arith.index_cast %add3A_430 : i32 to index
        %get3A_432 = tpu.vector_load %arg5[%get3A_431] {strides = array<i32>} : memref<50000xf32, #tpu.memory_space<vmem>>, vector<16xf32>,
        %add3A_433 = arith.addf %add3A_402, %get3A_432 : vector<16xf32>
        %mul3A_434 = arith.mulf %get3A_432, %get3A_432 : vector<16xf32>
        %add3A_435 = arith.addf %add3A_404, %mul3A_434 : vector<16xf32>
        %add3A_436 = arith.constant 336 : i32
        %add3A_437 = arith.addi %mul3A_273, %add3A_436 : i32
        %get3A_438 = arith.index_cast %add3A_437 : i32 to index
        %get3A_439 = tpu.vector_load %arg5[%get3A_438] {strides = array<i32>} : memref<50000xf32, #tpu.memory_space<vmem>>, vector<16xf32>,
        %add3A_440 = arith.addf %add3A_409, %get3A_439 : vector<16xf32>
        %mul3A_441 = arith.mulf %get3A_439, %get3A_439 : vector<16xf32>
        %add3A_442 = arith.addf %add3A_411, %mul3A_441 : vector<16xf32>
        %max3A_443 = arith.maximumf %get3A_432, %get3A_439 : vector<16xf32>
        %add3A_444 = arith.constant 352 : i32
        %add3A_445 = arith.addi %mul3A_273, %add3A_444 : i32
        %get3A_446 = arith.index_cast %add3A_445 : i32 to index
        %get3A_447 = tpu.vector_load %arg5[%get3A_446] {strides = array<i32>} : memref<50000xf32, #tpu.memory_space<vmem>>, vector<16xf32>,
        %add3A_448 = arith.addf %add3A_417, %get3A_447 : vector<16xf32>
        %mul3A_449 = arith.mulf %get3A_447, %get3A_447 : vector<16xf32>
        %add3A_450 = arith.addf %add3A_419, %mul3A_449 : vector<16xf32>
        %max3A_451 = arith.maximumf %max3A_443, %get3A_447 : vector<16xf32>
        %add3A_452 = arith.constant 368 : i32
        %add3A_453 = arith.addi %mul3A_273, %add3A_452 : i32
        %get3A_454 = arith.index_cast %add3A_453 : i32 to index
        %get3A_455 = tpu.vector_load %arg5[%get3A_454] {strides = array<i32>} : memref<50000xf32, #tpu.memory_space<vmem>>, vector<16xf32>,
        %add3A_456 = arith.addf %add3A_425, %get3A_455 : vector<16xf32>
        %mul3A_457 = arith.mulf %get3A_455, %get3A_455 : vector<16xf32>
        %add3A_458 = arith.addf %add3A_427, %mul3A_457 : vector<16xf32>
        %max3A_459 = arith.maximumf %max3A_451, %get3A_455 : vector<16xf32>
        %add3A_460 = arith.constant 384 : i32
        %add3A_461 = arith.addi %mul3A_273, %add3A_460 : i32
        %get3A_462 = arith.index_cast %add3A_461 : i32 to index
        %get3A_463 = tpu.vector_load %arg5[%get3A_462] {strides = array<i32>} : memref<50000xf32, #tpu.memory_space<vmem>>, vector<16xf32>,
        %add3A_464 = arith.addf %add3A_433, %get3A_463 : vector<16xf32>
        %mul3A_465 = arith.mulf %get3A_463, %get3A_463 : vector<16xf32>
        %add3A_466 = arith.addf %add3A_435, %mul3A_465 : vector<16xf32>
        %max3A_467 = arith.maximumf %scan3A_263, %max3A_304 : vector<16xf32>
        %max3A_468 = arith.maximumf %max3A_467, %max3A_335 : vector<16xf32>
        %max3A_469 = arith.maximumf %max3A_468, %max3A_366 : vector<16xf32>
        %max3A_470 = arith.maximumf %max3A_469, %max3A_397 : vector<16xf32>
        %max3A_471 = arith.maximumf %max3A_470, %max3A_428 : vector<16xf32>
        %max3A_472 = arith.maximumf %max3A_471, %max3A_459 : vector<16xf32>
        %max3A_473 = arith.maximumf %max3A_472, %get3A_463 : vector<16xf32>
        scf.yield %max3A_473, %add3A_464, %add3A_440, %add3A_448, %add3A_456, %add3A_466, %add3A_442, %add3A_450, %add3A_458 : vector<16xf32>, vector<16xf32>, vector<16xf32>, vector<16xf32>, vector<16xf32>, vector<16xf32>, vector<16xf32>, vector<16xf32>, vector<16xf32>
      }
      %scan3A_77 = arith.constant 125 : i32
      %mul3A_78 = arith.constant 100000 : i32
      %mul3A_79 = arith.muli %add3A_26, %mul3A_78 : i32
      %add3A_80 = arith.constant 50000 : i32
      %add3A_81 = arith.addi %mul3A_79, %add3A_80 : i32
      %dma_wait3A_82 = tpu.memref_slice %arg2[%add3A_81] : memref<102400000xf32, #tpu.memory_space<hbm>> -> memref<50000xf32, #tpu.memory_space<hbm>>
      %dma_wait3A_83 = tpu.memref_slice %arg2[%add3A_81] : memref<102400000xf32, #tpu.memory_space<hbm>> -> memref<50000xf32, #tpu.memory_space<hbm>>
      tpu.wait_dma2 semaphore(%arg13 : memref<!tpu.dma_semaphore, #tpu.memory_space<semaphore_mem>>) src(%dma_wait3A_83 : memref<50000xf32, #tpu.memory_space<hbm>>) dst(%arg6 : memref<50000xf32, #tpu.memory_space<vmem>>)
      %ge3A_84 = arith.constant 50000 : i32
      %ge3A_85 = arith.cmpi sge, %convert_element_type3A_53, %ge3A_84 : i32
      %lt3A_86 = arith.constant 100000 : i32
      %lt3A_87 = arith.cmpi slt, %convert_element_type3A_53, %lt3A_86 : i32
      %and3A_88 = arith.andi %ge3A_85, %lt3A_87 : i1
      %sub3A_89 = arith.constant 50000 : i32
      %sub3A_90 = arith.subi %convert_element_type3A_53, %sub3A_89 : i32
      %jit3A_91 = arith.constant 0 : i32
      %jit3A_92 = arith.constant 49999 : i32
      %max3A_93 = arith.maxsi %jit3A_91, %sub3A_90 : i32
      %min3A_94 = arith.minsi %jit3A_92, %max3A_93 : i32
      %convert_element_type3A_95 = arith.extui %and3A_88 : i1 to i32
      %cond3A_96 = arith.constant 0 : i32
      %cond3A_97 = arith.cmpi ne, %convert_element_type3A_95, %cond3A_96 : i32
      scf.if %cond3A_97 {
        %jit3A_262 = arith.constant 16 : i32
        %div3A_263 = arith.divsi %min3A_94, %jit3A_262 : i32
        %sign3A_264 = arith.constant 0 : i32
        %sign3A_265 = arith.cmpi sgt, %min3A_94, %sign3A_264 : i32
        %sign3A_266 = arith.extui %sign3A_265 : i1 to i32
        %sign3A_267 = arith.constant 0 : i32
        %sign3A_268 = arith.cmpi slt, %min3A_94, %sign3A_267 : i32
        %sign3A_269 = arith.extui %sign3A_268 : i1 to i32
        %sign3A_270 = arith.subi %sign3A_266, %sign3A_269 : i32
        %sign3A_271 = arith.constant 0 : i32
        %sign3A_272 = arith.cmpi sgt, %jit3A_262, %sign3A_271 : i32
        %sign3A_273 = arith.extui %sign3A_272 : i1 to i32
        %sign3A_274 = arith.constant 0 : i32
        %sign3A_275 = arith.cmpi slt, %jit3A_262, %sign3A_274 : i32
        %sign3A_276 = arith.extui %sign3A_275 : i1 to i32
        %sign3A_277 = arith.subi %sign3A_273, %sign3A_276 : i32
        %ne3A_278 = arith.cmpi ne, %sign3A_270, %sign3A_277 : i32
        %rem3A_279 = arith.remsi %min3A_94, %jit3A_262 : i32
        %ne3A_280 = arith.constant 0 : i32
        %ne3A_281 = arith.cmpi ne, %rem3A_279, %ne3A_280 : i32
        %and3A_282 = arith.andi %ne3A_278, %ne3A_281 : i1
        %sub3A_283 = arith.constant 1 : i32
        %sub3A_284 = arith.subi %div3A_263, %sub3A_283 : i32
        %select_n3A_285 = arith.select %and3A_282, %sub3A_284, %div3A_263 : i32
        %mul3A_286 = arith.constant 16 : i32
        %mul3A_287 = arith.muli %select_n3A_285, %mul3A_286 : i32
        %multiple_of3A = tpu.assume_multiple %mul3A_287, 16 : i32
        %get3A_288 = arith.index_cast %multiple_of3A : i32 to index
        %get3A_289 = tpu.vector_load %arg6[%get3A_288] {strides = array<i32>} : memref<50000xf32, #tpu.memory_space<vmem>>, vector<16xf32>,
        %jit3A_290 = arith.constant 16 : i32
        %eq3A_291 = arith.constant 0 : i32
        %eq3A_292 = arith.cmpi eq, %jit3A_290, %eq3A_291 : i32
        %jit3A_293 = arith.constant 1 : i32
        %select_n3A_294 = arith.select %eq3A_292, %jit3A_293, %jit3A_290 : i32
        %rem3A_295 = arith.remsi %min3A_94, %select_n3A_294 : i32
        %ne3A_296 = arith.constant 0 : i32
        %ne3A_297 = arith.cmpi ne, %rem3A_295, %ne3A_296 : i32
        %lt3A_298 = arith.constant 0 : i32
        %lt3A_299 = arith.cmpi slt, %rem3A_295, %lt3A_298 : i32
        %lt3A_300 = arith.constant 0 : i32
        %lt3A_301 = arith.cmpi slt, %select_n3A_294, %lt3A_300 : i32
        %ne3A_302 = arith.xori %lt3A_299, %lt3A_301 : i1
        %and3A_303 = arith.andi %ne3A_302, %ne3A_297 : i1
        %add3A_304 = arith.addi %rem3A_295, %select_n3A_294 : i32
        %select_n3A_305 = arith.select %and3A_303, %add3A_304, %rem3A_295 : i32
        %iota3A_306 = tpu.iota {dimensions = array<i32: 0>} : vector<16xi32>
        %eq3A_307 = vector.broadcast %select_n3A_305 : i32 to vector<16xi32>
        %eq3A_308 = arith.cmpi eq, %iota3A_306, %eq3A_307 : vector<16xi32>
        %broadcast_in_dim3A_309 = arith.constant 0.000000e+00 : f32
        %broadcast_in_dim3A_310 = vector.broadcast %broadcast_in_dim3A_309 : f32 to vector<16xf32>
        %select_n3A_311 = arith.select %eq3A_308, %get3A_289, %broadcast_in_dim3A_310 : vector<16xi1>, vector<16xf32>
        %reduce_sum3A_312 = arith.constant true
        %reduce_sum3A_313 = vector.broadcast %reduce_sum3A_312 : i1 to vector<16xi1>
        %reduce_sum3A_314 = tpu.scan <sum>, %select_n3A_311 masked %reduce_sum3A_313 : vector<16xf32>, vector<16xi1> -> vector<16xf32>
        %reduce_sum3A_315 = vector.extract %reduce_sum3A_314[15] : f32 from vector<16xf32>
        %swap3A_316 = arith.constant 0 : i32
        %swap3A_317 = arith.index_cast %swap3A_316 : i32 to index
        %swap3A_318 = memref.load %arg11[%swap3A_317] : memref<1xf32, #tpu.memory_space<smem>>
        memref.store %reduce_sum3A_315, %arg11[%swap3A_317] : memref<1xf32, #tpu.memory_space<smem>>
      } else {
      }
      %scan3A_98 = arith.constant 0 : i32
      %scan3A_99 = arith.constant 125 : i32
      %scan3A_100 = arith.addi %scan3A_98, %scan3A_99 : i32
      %scan3A_101 = arith.constant 1 : i32
      %scan3A_102:9 = scf.for %scan3A_262 = %scan3A_98 to %scan3A_100 step %scan3A_101 iter_args(%scan3A_263 = %scan3A_76#0, %scan3A_264 = %scan3A_76#1, %scan3A_265 = %scan3A_76#2, %scan3A_266 = %scan3A_76#3, %scan3A_267 = %scan3A_76#4, %scan3A_268 = %scan3A_76#5, %scan3A_269 = %scan3A_76#6, %scan3A_270 = %scan3A_76#7, %scan3A_271 = %scan3A_76#8) -> (vector<16xf32>, vector<16xf32>, vector<16xf32>, vector<16xf32>, vector<16xf32>, vector<16xf32>, vector<16xf32>, vector<16xf32>, vector<16xf32>)  : i32 {
        %mul3A_272 = arith.constant 400 : i32
        %mul3A_273 = arith.muli %scan3A_262, %mul3A_272 : i32
        %add3A_274 = arith.constant 0 : i32
        %add3A_275 = arith.addi %mul3A_273, %add3A_274 : i32
        %get3A_276 = arith.index_cast %add3A_275 : i32 to index
        %get3A_277 = tpu.vector_load %arg6[%get3A_276] {strides = array<i32>} : memref<50000xf32, #tpu.memory_space<vmem>>, vector<16xf32>,
        %add3A_278 = arith.addf %scan3A_264, %get3A_277 : vector<16xf32>
        %mul3A_279 = arith.mulf %get3A_277, %get3A_277 : vector<16xf32>
        %add3A_280 = arith.addf %scan3A_268, %mul3A_279 : vector<16xf32>
        %add3A_281 = arith.constant 16 : i32
        %add3A_282 = arith.addi %mul3A_273, %add3A_281 : i32
        %get3A_283 = arith.index_cast %add3A_282 : i32 to index
        %get3A_284 = tpu.vector_load %arg6[%get3A_283] {strides = array<i32>} : memref<50000xf32, #tpu.memory_space<vmem>>, vector<16xf32>,
        %add3A_285 = arith.addf %scan3A_265, %get3A_284 : vector<16xf32>
        %mul3A_286 = arith.mulf %get3A_284, %get3A_284 : vector<16xf32>
        %add3A_287 = arith.addf %scan3A_269, %mul3A_286 : vector<16xf32>
        %max3A_288 = arith.maximumf %get3A_277, %get3A_284 : vector<16xf32>
        %add3A_289 = arith.constant 32 : i32
        %add3A_290 = arith.addi %mul3A_273, %add3A_289 : i32
        %get3A_291 = arith.index_cast %add3A_290 : i32 to index
        %get3A_292 = tpu.vector_load %arg6[%get3A_291] {strides = array<i32>} : memref<50000xf32, #tpu.memory_space<vmem>>, vector<16xf32>,
        %add3A_293 = arith.addf %scan3A_266, %get3A_292 : vector<16xf32>
        %mul3A_294 = arith.mulf %get3A_292, %get3A_292 : vector<16xf32>
        %add3A_295 = arith.addf %scan3A_270, %mul3A_294 : vector<16xf32>
        %max3A_296 = arith.maximumf %max3A_288, %get3A_292 : vector<16xf32>
        %add3A_297 = arith.constant 48 : i32
        %add3A_298 = arith.addi %mul3A_273, %add3A_297 : i32
        %get3A_299 = arith.index_cast %add3A_298 : i32 to index
        %get3A_300 = tpu.vector_load %arg6[%get3A_299] {strides = array<i32>} : memref<50000xf32, #tpu.memory_space<vmem>>, vector<16xf32>,
        %add3A_301 = arith.addf %scan3A_267, %get3A_300 : vector<16xf32>
        %mul3A_302 = arith.mulf %get3A_300, %get3A_300 : vector<16xf32>
        %add3A_303 = arith.addf %scan3A_271, %mul3A_302 : vector<16xf32>
        %max3A_304 = arith.maximumf %max3A_296, %get3A_300 : vector<16xf32>
        %add3A_305 = arith.constant 64 : i32
        %add3A_306 = arith.addi %mul3A_273, %add3A_305 : i32
        %get3A_307 = arith.index_cast %add3A_306 : i32 to index
        %get3A_308 = tpu.vector_load %arg6[%get3A_307] {strides = array<i32>} : memref<50000xf32, #tpu.memory_space<vmem>>, vector<16xf32>,
        %add3A_309 = arith.addf %add3A_278, %get3A_308 : vector<16xf32>
        %mul3A_310 = arith.mulf %get3A_308, %get3A_308 : vector<16xf32>
        %add3A_311 = arith.addf %add3A_280, %mul3A_310 : vector<16xf32>
        %add3A_312 = arith.constant 80 : i32
        %add3A_313 = arith.addi %mul3A_273, %add3A_312 : i32
        %get3A_314 = arith.index_cast %add3A_313 : i32 to index
        %get3A_315 = tpu.vector_load %arg6[%get3A_314] {strides = array<i32>} : memref<50000xf32, #tpu.memory_space<vmem>>, vector<16xf32>,
        %add3A_316 = arith.addf %add3A_285, %get3A_315 : vector<16xf32>
        %mul3A_317 = arith.mulf %get3A_315, %get3A_315 : vector<16xf32>
        %add3A_318 = arith.addf %add3A_287, %mul3A_317 : vector<16xf32>
        %max3A_319 = arith.maximumf %get3A_308, %get3A_315 : vector<16xf32>
        %add3A_320 = arith.constant 96 : i32
        %add3A_321 = arith.addi %mul3A_273, %add3A_320 : i32
        %get3A_322 = arith.index_cast %add3A_321 : i32 to index
        %get3A_323 = tpu.vector_load %arg6[%get3A_322] {strides = array<i32>} : memref<50000xf32, #tpu.memory_space<vmem>>, vector<16xf32>,
        %add3A_324 = arith.addf %add3A_293, %get3A_323 : vector<16xf32>
        %mul3A_325 = arith.mulf %get3A_323, %get3A_323 : vector<16xf32>
        %add3A_326 = arith.addf %add3A_295, %mul3A_325 : vector<16xf32>
        %max3A_327 = arith.maximumf %max3A_319, %get3A_323 : vector<16xf32>
        %add3A_328 = arith.constant 112 : i32
        %add3A_329 = arith.addi %mul3A_273, %add3A_328 : i32
        %get3A_330 = arith.index_cast %add3A_329 : i32 to index
        %get3A_331 = tpu.vector_load %arg6[%get3A_330] {strides = array<i32>} : memref<50000xf32, #tpu.memory_space<vmem>>, vector<16xf32>,
        %add3A_332 = arith.addf %add3A_301, %get3A_331 : vector<16xf32>
        %mul3A_333 = arith.mulf %get3A_331, %get3A_331 : vector<16xf32>
        %add3A_334 = arith.addf %add3A_303, %mul3A_333 : vector<16xf32>
        %max3A_335 = arith.maximumf %max3A_327, %get3A_331 : vector<16xf32>
        %add3A_336 = arith.constant 128 : i32
        %add3A_337 = arith.addi %mul3A_273, %add3A_336 : i32
        %get3A_338 = arith.index_cast %add3A_337 : i32 to index
        %get3A_339 = tpu.vector_load %arg6[%get3A_338] {strides = array<i32>} : memref<50000xf32, #tpu.memory_space<vmem>>, vector<16xf32>,
        %add3A_340 = arith.addf %add3A_309, %get3A_339 : vector<16xf32>
        %mul3A_341 = arith.mulf %get3A_339, %get3A_339 : vector<16xf32>
        %add3A_342 = arith.addf %add3A_311, %mul3A_341 : vector<16xf32>
        %add3A_343 = arith.constant 144 : i32
        %add3A_344 = arith.addi %mul3A_273, %add3A_343 : i32
        %get3A_345 = arith.index_cast %add3A_344 : i32 to index
        %get3A_346 = tpu.vector_load %arg6[%get3A_345] {strides = array<i32>} : memref<50000xf32, #tpu.memory_space<vmem>>, vector<16xf32>,
        %add3A_347 = arith.addf %add3A_316, %get3A_346 : vector<16xf32>
        %mul3A_348 = arith.mulf %get3A_346, %get3A_346 : vector<16xf32>
        %add3A_349 = arith.addf %add3A_318, %mul3A_348 : vector<16xf32>
        %max3A_350 = arith.maximumf %get3A_339, %get3A_346 : vector<16xf32>
        %add3A_351 = arith.constant 160 : i32
        %add3A_352 = arith.addi %mul3A_273, %add3A_351 : i32
        %get3A_353 = arith.index_cast %add3A_352 : i32 to index
        %get3A_354 = tpu.vector_load %arg6[%get3A_353] {strides = array<i32>} : memref<50000xf32, #tpu.memory_space<vmem>>, vector<16xf32>,
        %add3A_355 = arith.addf %add3A_324, %get3A_354 : vector<16xf32>
        %mul3A_356 = arith.mulf %get3A_354, %get3A_354 : vector<16xf32>
        %add3A_357 = arith.addf %add3A_326, %mul3A_356 : vector<16xf32>
        %max3A_358 = arith.maximumf %max3A_350, %get3A_354 : vector<16xf32>
        %add3A_359 = arith.constant 176 : i32
        %add3A_360 = arith.addi %mul3A_273, %add3A_359 : i32
        %get3A_361 = arith.index_cast %add3A_360 : i32 to index
        %get3A_362 = tpu.vector_load %arg6[%get3A_361] {strides = array<i32>} : memref<50000xf32, #tpu.memory_space<vmem>>, vector<16xf32>,
        %add3A_363 = arith.addf %add3A_332, %get3A_362 : vector<16xf32>
        %mul3A_364 = arith.mulf %get3A_362, %get3A_362 : vector<16xf32>
        %add3A_365 = arith.addf %add3A_334, %mul3A_364 : vector<16xf32>
        %max3A_366 = arith.maximumf %max3A_358, %get3A_362 : vector<16xf32>
        %add3A_367 = arith.constant 192 : i32
        %add3A_368 = arith.addi %mul3A_273, %add3A_367 : i32
        %get3A_369 = arith.index_cast %add3A_368 : i32 to index
        %get3A_370 = tpu.vector_load %arg6[%get3A_369] {strides = array<i32>} : memref<50000xf32, #tpu.memory_space<vmem>>, vector<16xf32>,
        %add3A_371 = arith.addf %add3A_340, %get3A_370 : vector<16xf32>
        %mul3A_372 = arith.mulf %get3A_370, %get3A_370 : vector<16xf32>
        %add3A_373 = arith.addf %add3A_342, %mul3A_372 : vector<16xf32>
        %add3A_374 = arith.constant 208 : i32
        %add3A_375 = arith.addi %mul3A_273, %add3A_374 : i32
        %get3A_376 = arith.index_cast %add3A_375 : i32 to index
        %get3A_377 = tpu.vector_load %arg6[%get3A_376] {strides = array<i32>} : memref<50000xf32, #tpu.memory_space<vmem>>, vector<16xf32>,
        %add3A_378 = arith.addf %add3A_347, %get3A_377 : vector<16xf32>
        %mul3A_379 = arith.mulf %get3A_377, %get3A_377 : vector<16xf32>
        %add3A_380 = arith.addf %add3A_349, %mul3A_379 : vector<16xf32>
        %max3A_381 = arith.maximumf %get3A_370, %get3A_377 : vector<16xf32>
        %add3A_382 = arith.constant 224 : i32
        %add3A_383 = arith.addi %mul3A_273, %add3A_382 : i32
        %get3A_384 = arith.index_cast %add3A_383 : i32 to index
        %get3A_385 = tpu.vector_load %arg6[%get3A_384] {strides = array<i32>} : memref<50000xf32, #tpu.memory_space<vmem>>, vector<16xf32>,
        %add3A_386 = arith.addf %add3A_355, %get3A_385 : vector<16xf32>
        %mul3A_387 = arith.mulf %get3A_385, %get3A_385 : vector<16xf32>
        %add3A_388 = arith.addf %add3A_357, %mul3A_387 : vector<16xf32>
        %max3A_389 = arith.maximumf %max3A_381, %get3A_385 : vector<16xf32>
        %add3A_390 = arith.constant 240 : i32
        %add3A_391 = arith.addi %mul3A_273, %add3A_390 : i32
        %get3A_392 = arith.index_cast %add3A_391 : i32 to index
        %get3A_393 = tpu.vector_load %arg6[%get3A_392] {strides = array<i32>} : memref<50000xf32, #tpu.memory_space<vmem>>, vector<16xf32>,
        %add3A_394 = arith.addf %add3A_363, %get3A_393 : vector<16xf32>
        %mul3A_395 = arith.mulf %get3A_393, %get3A_393 : vector<16xf32>
        %add3A_396 = arith.addf %add3A_365, %mul3A_395 : vector<16xf32>
        %max3A_397 = arith.maximumf %max3A_389, %get3A_393 : vector<16xf32>
        %add3A_398 = arith.constant 256 : i32
        %add3A_399 = arith.addi %mul3A_273, %add3A_398 : i32
        %get3A_400 = arith.index_cast %add3A_399 : i32 to index
        %get3A_401 = tpu.vector_load %arg6[%get3A_400] {strides = array<i32>} : memref<50000xf32, #tpu.memory_space<vmem>>, vector<16xf32>,
        %add3A_402 = arith.addf %add3A_371, %get3A_401 : vector<16xf32>
        %mul3A_403 = arith.mulf %get3A_401, %get3A_401 : vector<16xf32>
        %add3A_404 = arith.addf %add3A_373, %mul3A_403 : vector<16xf32>
        %add3A_405 = arith.constant 272 : i32
        %add3A_406 = arith.addi %mul3A_273, %add3A_405 : i32
        %get3A_407 = arith.index_cast %add3A_406 : i32 to index
        %get3A_408 = tpu.vector_load %arg6[%get3A_407] {strides = array<i32>} : memref<50000xf32, #tpu.memory_space<vmem>>, vector<16xf32>,
        %add3A_409 = arith.addf %add3A_378, %get3A_408 : vector<16xf32>
        %mul3A_410 = arith.mulf %get3A_408, %get3A_408 : vector<16xf32>
        %add3A_411 = arith.addf %add3A_380, %mul3A_410 : vector<16xf32>
        %max3A_412 = arith.maximumf %get3A_401, %get3A_408 : vector<16xf32>
        %add3A_413 = arith.constant 288 : i32
        %add3A_414 = arith.addi %mul3A_273, %add3A_413 : i32
        %get3A_415 = arith.index_cast %add3A_414 : i32 to index
        %get3A_416 = tpu.vector_load %arg6[%get3A_415] {strides = array<i32>} : memref<50000xf32, #tpu.memory_space<vmem>>, vector<16xf32>,
        %add3A_417 = arith.addf %add3A_386, %get3A_416 : vector<16xf32>
        %mul3A_418 = arith.mulf %get3A_416, %get3A_416 : vector<16xf32>
        %add3A_419 = arith.addf %add3A_388, %mul3A_418 : vector<16xf32>
        %max3A_420 = arith.maximumf %max3A_412, %get3A_416 : vector<16xf32>
        %add3A_421 = arith.constant 304 : i32
        %add3A_422 = arith.addi %mul3A_273, %add3A_421 : i32
        %get3A_423 = arith.index_cast %add3A_422 : i32 to index
        %get3A_424 = tpu.vector_load %arg6[%get3A_423] {strides = array<i32>} : memref<50000xf32, #tpu.memory_space<vmem>>, vector<16xf32>,
        %add3A_425 = arith.addf %add3A_394, %get3A_424 : vector<16xf32>
        %mul3A_426 = arith.mulf %get3A_424, %get3A_424 : vector<16xf32>
        %add3A_427 = arith.addf %add3A_396, %mul3A_426 : vector<16xf32>
        %max3A_428 = arith.maximumf %max3A_420, %get3A_424 : vector<16xf32>
        %add3A_429 = arith.constant 320 : i32
        %add3A_430 = arith.addi %mul3A_273, %add3A_429 : i32
        %get3A_431 = arith.index_cast %add3A_430 : i32 to index
        %get3A_432 = tpu.vector_load %arg6[%get3A_431] {strides = array<i32>} : memref<50000xf32, #tpu.memory_space<vmem>>, vector<16xf32>,
        %add3A_433 = arith.addf %add3A_402, %get3A_432 : vector<16xf32>
        %mul3A_434 = arith.mulf %get3A_432, %get3A_432 : vector<16xf32>
        %add3A_435 = arith.addf %add3A_404, %mul3A_434 : vector<16xf32>
        %add3A_436 = arith.constant 336 : i32
        %add3A_437 = arith.addi %mul3A_273, %add3A_436 : i32
        %get3A_438 = arith.index_cast %add3A_437 : i32 to index
        %get3A_439 = tpu.vector_load %arg6[%get3A_438] {strides = array<i32>} : memref<50000xf32, #tpu.memory_space<vmem>>, vector<16xf32>,
        %add3A_440 = arith.addf %add3A_409, %get3A_439 : vector<16xf32>
        %mul3A_441 = arith.mulf %get3A_439, %get3A_439 : vector<16xf32>
        %add3A_442 = arith.addf %add3A_411, %mul3A_441 : vector<16xf32>
        %max3A_443 = arith.maximumf %get3A_432, %get3A_439 : vector<16xf32>
        %add3A_444 = arith.constant 352 : i32
        %add3A_445 = arith.addi %mul3A_273, %add3A_444 : i32
        %get3A_446 = arith.index_cast %add3A_445 : i32 to index
        %get3A_447 = tpu.vector_load %arg6[%get3A_446] {strides = array<i32>} : memref<50000xf32, #tpu.memory_space<vmem>>, vector<16xf32>,
        %add3A_448 = arith.addf %add3A_417, %get3A_447 : vector<16xf32>
        %mul3A_449 = arith.mulf %get3A_447, %get3A_447 : vector<16xf32>
        %add3A_450 = arith.addf %add3A_419, %mul3A_449 : vector<16xf32>
        %max3A_451 = arith.maximumf %max3A_443, %get3A_447 : vector<16xf32>
        %add3A_452 = arith.constant 368 : i32
        %add3A_453 = arith.addi %mul3A_273, %add3A_452 : i32
        %get3A_454 = arith.index_cast %add3A_453 : i32 to index
        %get3A_455 = tpu.vector_load %arg6[%get3A_454] {strides = array<i32>} : memref<50000xf32, #tpu.memory_space<vmem>>, vector<16xf32>,
        %add3A_456 = arith.addf %add3A_425, %get3A_455 : vector<16xf32>
        %mul3A_457 = arith.mulf %get3A_455, %get3A_455 : vector<16xf32>
        %add3A_458 = arith.addf %add3A_427, %mul3A_457 : vector<16xf32>
        %max3A_459 = arith.maximumf %max3A_451, %get3A_455 : vector<16xf32>
        %add3A_460 = arith.constant 384 : i32
        %add3A_461 = arith.addi %mul3A_273, %add3A_460 : i32
        %get3A_462 = arith.index_cast %add3A_461 : i32 to index
        %get3A_463 = tpu.vector_load %arg6[%get3A_462] {strides = array<i32>} : memref<50000xf32, #tpu.memory_space<vmem>>, vector<16xf32>,
        %add3A_464 = arith.addf %add3A_433, %get3A_463 : vector<16xf32>
        %mul3A_465 = arith.mulf %get3A_463, %get3A_463 : vector<16xf32>
        %add3A_466 = arith.addf %add3A_435, %mul3A_465 : vector<16xf32>
        %max3A_467 = arith.maximumf %scan3A_263, %max3A_304 : vector<16xf32>
        %max3A_468 = arith.maximumf %max3A_467, %max3A_335 : vector<16xf32>
        %max3A_469 = arith.maximumf %max3A_468, %max3A_366 : vector<16xf32>
        %max3A_470 = arith.maximumf %max3A_469, %max3A_397 : vector<16xf32>
        %max3A_471 = arith.maximumf %max3A_470, %max3A_428 : vector<16xf32>
        %max3A_472 = arith.maximumf %max3A_471, %max3A_459 : vector<16xf32>
        %max3A_473 = arith.maximumf %max3A_472, %get3A_463 : vector<16xf32>
        scf.yield %max3A_473, %add3A_464, %add3A_440, %add3A_448, %add3A_456, %add3A_466, %add3A_442, %add3A_450, %add3A_458 : vector<16xf32>, vector<16xf32>, vector<16xf32>, vector<16xf32>, vector<16xf32>, vector<16xf32>, vector<16xf32>, vector<16xf32>, vector<16xf32>
      }
      %scan3A_103 = arith.constant 125 : i32
      %reduce_max3A = arith.constant true
      %reduce_max3A_104 = vector.broadcast %reduce_max3A : i1 to vector<16xi1>
      %reduce_max3A_105 = tpu.scan <max>, %scan3A_102#0 masked %reduce_max3A_104 : vector<16xf32>, vector<16xi1> -> vector<16xf32>
      %reduce_max3A_106 = vector.extract %reduce_max3A_105[15] : f32 from vector<16xf32>
      %add3A_107 = arith.addf %scan3A_102#1, %scan3A_102#2 : vector<16xf32>
      %add3A_108 = arith.addf %add3A_107, %scan3A_102#3 : vector<16xf32>
      %add3A_109 = arith.addf %add3A_108, %scan3A_102#4 : vector<16xf32>
      %reduce_sum3A_110 = arith.constant true
      %reduce_sum3A_111 = vector.broadcast %reduce_sum3A_110 : i1 to vector<16xi1>
      %reduce_sum3A_112 = tpu.scan <sum>, %add3A_109 masked %reduce_sum3A_111 : vector<16xf32>, vector<16xi1> -> vector<16xf32>
      %reduce_sum3A_113 = vector.extract %reduce_sum3A_112[15] : f32 from vector<16xf32>
      %add3A_114 = arith.addf %scan3A_102#5, %scan3A_102#6 : vector<16xf32>
      %add3A_115 = arith.addf %add3A_114, %scan3A_102#7 : vector<16xf32>
      %add3A_116 = arith.addf %add3A_115, %scan3A_102#8 : vector<16xf32>
      %reduce_sum3A_117 = arith.constant true
      %reduce_sum3A_118 = vector.broadcast %reduce_sum3A_117 : i1 to vector<16xi1>
      %reduce_sum3A_119 = tpu.scan <sum>, %add3A_116 masked %reduce_sum3A_118 : vector<16xf32>, vector<16xi1> -> vector<16xf32>
      %reduce_sum3A_120 = vector.extract %reduce_sum3A_119[15] : f32 from vector<16xf32>
      %sub3A_121 = arith.constant 1.000000e+00 : f32
      %sub3A_122 = arith.subf %reduce_max3A_106, %sub3A_121 : f32
      %broadcast_in_dim3A_123 = vector.broadcast %sub3A_122 : f32 to vector<16xf32>
      %broadcast_in_dim3A_124 = arith.constant 0 : i32
      %broadcast_in_dim3A_125 = vector.broadcast %broadcast_in_dim3A_124 : i32 to vector<16xi32>
      %iota3A_126 = tpu.iota {dimensions = array<i32: 0>} : vector<16xi32>
      %add3A_127 = arith.constant 16 : i32
      %add3A_128 = vector.broadcast %add3A_127 : i32 to vector<16xi32>
      %add3A_129 = arith.addi %iota3A_126, %add3A_128 : vector<16xi32>
      %broadcast_in_dim3A_130 = arith.constant 20064 : i32
      %broadcast_in_dim3A_131 = vector.broadcast %broadcast_in_dim3A_130 : i32 to vector<16xi32>
      %broadcast_in_dim3A_132 = arith.constant 32 : i32
      %broadcast_in_dim3A_133 = vector.broadcast %broadcast_in_dim3A_132 : i32 to vector<16xi32>
      %broadcast_in_dim3A_134 = arith.constant 16 : i32
      %broadcast_in_dim3A_135 = vector.broadcast %broadcast_in_dim3A_134 : i32 to vector<16xi32>
      %broadcast_in_dim3A_136 = arith.constant 0 : i32
      %broadcast_in_dim3A_137 = vector.broadcast %broadcast_in_dim3A_136 : i32 to vector<16xi32>
      %scan3A_138 = arith.constant 0 : i32
      %scan3A_139 = arith.constant 125 : i32
      %scan3A_140 = arith.addi %scan3A_138, %scan3A_139 : i32
      %scan3A_141 = arith.constant 1 : i32
      %scan3A_142 = scf.for %scan3A_262 = %scan3A_138 to %scan3A_140 step %scan3A_141 iter_args(%scan3A_263 = %broadcast_in_dim3A_125) -> (vector<16xi32>)  : i32 {
        %mul3A_264 = arith.constant 400 : i32
        %mul3A_265 = arith.muli %scan3A_262, %mul3A_264 : i32
        %min3A_266 = arith.minsi %scan3A_263, %broadcast_in_dim3A_131 : vector<16xi32>
        %add3A_267 = arith.constant 0 : i32
        %add3A_268 = arith.addi %mul3A_265, %add3A_267 : i32
        %get3A_269 = arith.index_cast %add3A_268 : i32 to index
        %get3A_270 = tpu.vector_load %arg5[%get3A_269] {strides = array<i32>} : memref<50000xf32, #tpu.memory_space<vmem>>, vector<16xf32>,
        %add3A_271 = arith.constant 16 : i32
        %add3A_272 = arith.addi %mul3A_265, %add3A_271 : i32
        %get3A_273 = arith.index_cast %add3A_272 : i32 to index
        %get3A_274 = tpu.vector_load %arg5[%get3A_273] {strides = array<i32>} : memref<50000xf32, #tpu.memory_space<vmem>>, vector<16xf32>,
        %max3A_275 = arith.maximumf %get3A_270, %get3A_274 : vector<16xf32>
        %ge3A_276 = arith.cmpf oge, %max3A_275, %broadcast_in_dim3A_123 : vector<16xf32>
        %all_reduce_population_count3A = tpu.all_reduce %ge3A_276 {dim = 0 : i64, kind = #tpu.reduction_kind<sum>} : vector<16xi1> -> vector<16xi32>
        %add3A_277 = arith.addi %min3A_266, %iota3A_126 : vector<16xi32>
        tpu.vector_store_idx %arg7[%add3A_277], %get3A_270 : memref<20480xf32, #tpu.memory_space<vmem>>[vector<16xi32>], vector<16xf32>,
        %add3A_278 = arith.addi %min3A_266, %add3A_129 : vector<16xi32>
        tpu.vector_store_idx %arg7[%add3A_278], %get3A_274 : memref<20480xf32, #tpu.memory_space<vmem>>[vector<16xi32>], vector<16xf32>,
        %ge3A_279 = arith.constant 1 : i32
        %ge3A_280 = vector.broadcast %ge3A_279 : i32 to vector<16xi32>
        %ge3A_281 = arith.cmpi sge, %all_reduce_population_count3A, %ge3A_280 : vector<16xi32>
        %select_n3A_282 = arith.select %ge3A_281, %broadcast_in_dim3A_133, %broadcast_in_dim3A_137 : vector<16xi1>, vector<16xi32>
        %add3A_283 = arith.addi %min3A_266, %select_n3A_282 : vector<16xi32>
        %add3A_284 = arith.constant 32 : i32
        %add3A_285 = arith.addi %mul3A_265, %add3A_284 : i32
        %get3A_286 = arith.index_cast %add3A_285 : i32 to index
        %get3A_287 = tpu.vector_load %arg5[%get3A_286] {strides = array<i32>} : memref<50000xf32, #tpu.memory_space<vmem>>, vector<16xf32>,
        %add3A_288 = arith.constant 48 : i32
        %add3A_289 = arith.addi %mul3A_265, %add3A_288 : i32
        %get3A_290 = arith.index_cast %add3A_289 : i32 to index
        %get3A_291 = tpu.vector_load %arg5[%get3A_290] {strides = array<i32>} : memref<50000xf32, #tpu.memory_space<vmem>>, vector<16xf32>,
        %max3A_292 = arith.maximumf %get3A_287, %get3A_291 : vector<16xf32>
        %ge3A_293 = arith.cmpf oge, %max3A_292, %broadcast_in_dim3A_123 : vector<16xf32>
        %all_reduce_population_count3A_294 = tpu.all_reduce %ge3A_293 {dim = 0 : i64, kind = #tpu.reduction_kind<sum>} : vector<16xi1> -> vector<16xi32>
        %add3A_295 = arith.addi %add3A_283, %iota3A_126 : vector<16xi32>
        tpu.vector_store_idx %arg7[%add3A_295], %get3A_287 : memref<20480xf32, #tpu.memory_space<vmem>>[vector<16xi32>], vector<16xf32>,
        %add3A_296 = arith.addi %add3A_283, %add3A_129 : vector<16xi32>
        tpu.vector_store_idx %arg7[%add3A_296], %get3A_291 : memref<20480xf32, #tpu.memory_space<vmem>>[vector<16xi32>], vector<16xf32>,
        %ge3A_297 = arith.constant 1 : i32
        %ge3A_298 = vector.broadcast %ge3A_297 : i32 to vector<16xi32>
        %ge3A_299 = arith.cmpi sge, %all_reduce_population_count3A_294, %ge3A_298 : vector<16xi32>
        %select_n3A_300 = arith.select %ge3A_299, %broadcast_in_dim3A_133, %broadcast_in_dim3A_137 : vector<16xi1>, vector<16xi32>
        %add3A_301 = arith.addi %add3A_283, %select_n3A_300 : vector<16xi32>
        %add3A_302 = arith.constant 64 : i32
        %add3A_303 = arith.addi %mul3A_265, %add3A_302 : i32
        %get3A_304 = arith.index_cast %add3A_303 : i32 to index
        %get3A_305 = tpu.vector_load %arg5[%get3A_304] {strides = array<i32>} : memref<50000xf32, #tpu.memory_space<vmem>>, vector<16xf32>,
        %add3A_306 = arith.constant 80 : i32
        %add3A_307 = arith.addi %mul3A_265, %add3A_306 : i32
        %get3A_308 = arith.index_cast %add3A_307 : i32 to index
        %get3A_309 = tpu.vector_load %arg5[%get3A_308] {strides = array<i32>} : memref<50000xf32, #tpu.memory_space<vmem>>, vector<16xf32>,
        %max3A_310 = arith.maximumf %get3A_305, %get3A_309 : vector<16xf32>
        %ge3A_311 = arith.cmpf oge, %max3A_310, %broadcast_in_dim3A_123 : vector<16xf32>
        %all_reduce_population_count3A_312 = tpu.all_reduce %ge3A_311 {dim = 0 : i64, kind = #tpu.reduction_kind<sum>} : vector<16xi1> -> vector<16xi32>
        %add3A_313 = arith.addi %add3A_301, %iota3A_126 : vector<16xi32>
        tpu.vector_store_idx %arg7[%add3A_313], %get3A_305 : memref<20480xf32, #tpu.memory_space<vmem>>[vector<16xi32>], vector<16xf32>,
        %add3A_314 = arith.addi %add3A_301, %add3A_129 : vector<16xi32>
        tpu.vector_store_idx %arg7[%add3A_314], %get3A_309 : memref<20480xf32, #tpu.memory_space<vmem>>[vector<16xi32>], vector<16xf32>,
        %ge3A_315 = arith.constant 1 : i32
        %ge3A_316 = vector.broadcast %ge3A_315 : i32 to vector<16xi32>
        %ge3A_317 = arith.cmpi sge, %all_reduce_population_count3A_312, %ge3A_316 : vector<16xi32>
        %select_n3A_318 = arith.select %ge3A_317, %broadcast_in_dim3A_133, %broadcast_in_dim3A_137 : vector<16xi1>, vector<16xi32>
        %add3A_319 = arith.addi %add3A_301, %select_n3A_318 : vector<16xi32>
        %add3A_320 = arith.constant 96 : i32
        %add3A_321 = arith.addi %mul3A_265, %add3A_320 : i32
        %get3A_322 = arith.index_cast %add3A_321 : i32 to index
        %get3A_323 = tpu.vector_load %arg5[%get3A_322] {strides = array<i32>} : memref<50000xf32, #tpu.memory_space<vmem>>, vector<16xf32>,
        %add3A_324 = arith.constant 112 : i32
        %add3A_325 = arith.addi %mul3A_265, %add3A_324 : i32
        %get3A_326 = arith.index_cast %add3A_325 : i32 to index
        %get3A_327 = tpu.vector_load %arg5[%get3A_326] {strides = array<i32>} : memref<50000xf32, #tpu.memory_space<vmem>>, vector<16xf32>,
        %max3A_328 = arith.maximumf %get3A_323, %get3A_327 : vector<16xf32>
        %ge3A_329 = arith.cmpf oge, %max3A_328, %broadcast_in_dim3A_123 : vector<16xf32>
        %all_reduce_population_count3A_330 = tpu.all_reduce %ge3A_329 {dim = 0 : i64, kind = #tpu.reduction_kind<sum>} : vector<16xi1> -> vector<16xi32>
        %add3A_331 = arith.addi %add3A_319, %iota3A_126 : vector<16xi32>
        tpu.vector_store_idx %arg7[%add3A_331], %get3A_323 : memref<20480xf32, #tpu.memory_space<vmem>>[vector<16xi32>], vector<16xf32>,
        %add3A_332 = arith.addi %add3A_319, %add3A_129 : vector<16xi32>
        tpu.vector_store_idx %arg7[%add3A_332], %get3A_327 : memref<20480xf32, #tpu.memory_space<vmem>>[vector<16xi32>], vector<16xf32>,
        %ge3A_333 = arith.constant 1 : i32
        %ge3A_334 = vector.broadcast %ge3A_333 : i32 to vector<16xi32>
        %ge3A_335 = arith.cmpi sge, %all_reduce_population_count3A_330, %ge3A_334 : vector<16xi32>
        %select_n3A_336 = arith.select %ge3A_335, %broadcast_in_dim3A_133, %broadcast_in_dim3A_137 : vector<16xi1>, vector<16xi32>
        %add3A_337 = arith.addi %add3A_319, %select_n3A_336 : vector<16xi32>
        %add3A_338 = arith.constant 128 : i32
        %add3A_339 = arith.addi %mul3A_265, %add3A_338 : i32
        %get3A_340 = arith.index_cast %add3A_339 : i32 to index
        %get3A_341 = tpu.vector_load %arg5[%get3A_340] {strides = array<i32>} : memref<50000xf32, #tpu.memory_space<vmem>>, vector<16xf32>,
        %add3A_342 = arith.constant 144 : i32
        %add3A_343 = arith.addi %mul3A_265, %add3A_342 : i32
        %get3A_344 = arith.index_cast %add3A_343 : i32 to index
        %get3A_345 = tpu.vector_load %arg5[%get3A_344] {strides = array<i32>} : memref<50000xf32, #tpu.memory_space<vmem>>, vector<16xf32>,
        %max3A_346 = arith.maximumf %get3A_341, %get3A_345 : vector<16xf32>
        %ge3A_347 = arith.cmpf oge, %max3A_346, %broadcast_in_dim3A_123 : vector<16xf32>
        %all_reduce_population_count3A_348 = tpu.all_reduce %ge3A_347 {dim = 0 : i64, kind = #tpu.reduction_kind<sum>} : vector<16xi1> -> vector<16xi32>
        %add3A_349 = arith.addi %add3A_337, %iota3A_126 : vector<16xi32>
        tpu.vector_store_idx %arg7[%add3A_349], %get3A_341 : memref<20480xf32, #tpu.memory_space<vmem>>[vector<16xi32>], vector<16xf32>,
        %add3A_350 = arith.addi %add3A_337, %add3A_129 : vector<16xi32>
        tpu.vector_store_idx %arg7[%add3A_350], %get3A_345 : memref<20480xf32, #tpu.memory_space<vmem>>[vector<16xi32>], vector<16xf32>,
        %ge3A_351 = arith.constant 1 : i32
        %ge3A_352 = vector.broadcast %ge3A_351 : i32 to vector<16xi32>
        %ge3A_353 = arith.cmpi sge, %all_reduce_population_count3A_348, %ge3A_352 : vector<16xi32>
        %select_n3A_354 = arith.select %ge3A_353, %broadcast_in_dim3A_133, %broadcast_in_dim3A_137 : vector<16xi1>, vector<16xi32>
        %add3A_355 = arith.addi %add3A_337, %select_n3A_354 : vector<16xi32>
        %add3A_356 = arith.constant 160 : i32
        %add3A_357 = arith.addi %mul3A_265, %add3A_356 : i32
        %get3A_358 = arith.index_cast %add3A_357 : i32 to index
        %get3A_359 = tpu.vector_load %arg5[%get3A_358] {strides = array<i32>} : memref<50000xf32, #tpu.memory_space<vmem>>, vector<16xf32>,
        %add3A_360 = arith.constant 176 : i32
        %add3A_361 = arith.addi %mul3A_265, %add3A_360 : i32
        %get3A_362 = arith.index_cast %add3A_361 : i32 to index
        %get3A_363 = tpu.vector_load %arg5[%get3A_362] {strides = array<i32>} : memref<50000xf32, #tpu.memory_space<vmem>>, vector<16xf32>,
        %max3A_364 = arith.maximumf %get3A_359, %get3A_363 : vector<16xf32>
        %ge3A_365 = arith.cmpf oge, %max3A_364, %broadcast_in_dim3A_123 : vector<16xf32>
        %all_reduce_population_count3A_366 = tpu.all_reduce %ge3A_365 {dim = 0 : i64, kind = #tpu.reduction_kind<sum>} : vector<16xi1> -> vector<16xi32>
        %add3A_367 = arith.addi %add3A_355, %iota3A_126 : vector<16xi32>
        tpu.vector_store_idx %arg7[%add3A_367], %get3A_359 : memref<20480xf32, #tpu.memory_space<vmem>>[vector<16xi32>], vector<16xf32>,
        %add3A_368 = arith.addi %add3A_355, %add3A_129 : vector<16xi32>
        tpu.vector_store_idx %arg7[%add3A_368], %get3A_363 : memref<20480xf32, #tpu.memory_space<vmem>>[vector<16xi32>], vector<16xf32>,
        %ge3A_369 = arith.constant 1 : i32
        %ge3A_370 = vector.broadcast %ge3A_369 : i32 to vector<16xi32>
        %ge3A_371 = arith.cmpi sge, %all_reduce_population_count3A_366, %ge3A_370 : vector<16xi32>
        %select_n3A_372 = arith.select %ge3A_371, %broadcast_in_dim3A_133, %broadcast_in_dim3A_137 : vector<16xi1>, vector<16xi32>
        %add3A_373 = arith.addi %add3A_355, %select_n3A_372 : vector<16xi32>
        %add3A_374 = arith.constant 192 : i32
        %add3A_375 = arith.addi %mul3A_265, %add3A_374 : i32
        %get3A_376 = arith.index_cast %add3A_375 : i32 to index
        %get3A_377 = tpu.vector_load %arg5[%get3A_376] {strides = array<i32>} : memref<50000xf32, #tpu.memory_space<vmem>>, vector<16xf32>,
        %add3A_378 = arith.constant 208 : i32
        %add3A_379 = arith.addi %mul3A_265, %add3A_378 : i32
        %get3A_380 = arith.index_cast %add3A_379 : i32 to index
        %get3A_381 = tpu.vector_load %arg5[%get3A_380] {strides = array<i32>} : memref<50000xf32, #tpu.memory_space<vmem>>, vector<16xf32>,
        %max3A_382 = arith.maximumf %get3A_377, %get3A_381 : vector<16xf32>
        %ge3A_383 = arith.cmpf oge, %max3A_382, %broadcast_in_dim3A_123 : vector<16xf32>
        %all_reduce_population_count3A_384 = tpu.all_reduce %ge3A_383 {dim = 0 : i64, kind = #tpu.reduction_kind<sum>} : vector<16xi1> -> vector<16xi32>
        %add3A_385 = arith.addi %add3A_373, %iota3A_126 : vector<16xi32>
        tpu.vector_store_idx %arg7[%add3A_385], %get3A_377 : memref<20480xf32, #tpu.memory_space<vmem>>[vector<16xi32>], vector<16xf32>,
        %add3A_386 = arith.addi %add3A_373, %add3A_129 : vector<16xi32>
        tpu.vector_store_idx %arg7[%add3A_386], %get3A_381 : memref<20480xf32, #tpu.memory_space<vmem>>[vector<16xi32>], vector<16xf32>,
        %ge3A_387 = arith.constant 1 : i32
        %ge3A_388 = vector.broadcast %ge3A_387 : i32 to vector<16xi32>
        %ge3A_389 = arith.cmpi sge, %all_reduce_population_count3A_384, %ge3A_388 : vector<16xi32>
        %select_n3A_390 = arith.select %ge3A_389, %broadcast_in_dim3A_133, %broadcast_in_dim3A_137 : vector<16xi1>, vector<16xi32>
        %add3A_391 = arith.addi %add3A_373, %select_n3A_390 : vector<16xi32>
        %add3A_392 = arith.constant 224 : i32
        %add3A_393 = arith.addi %mul3A_265, %add3A_392 : i32
        %get3A_394 = arith.index_cast %add3A_393 : i32 to index
        %get3A_395 = tpu.vector_load %arg5[%get3A_394] {strides = array<i32>} : memref<50000xf32, #tpu.memory_space<vmem>>, vector<16xf32>,
        %add3A_396 = arith.constant 240 : i32
        %add3A_397 = arith.addi %mul3A_265, %add3A_396 : i32
        %get3A_398 = arith.index_cast %add3A_397 : i32 to index
        %get3A_399 = tpu.vector_load %arg5[%get3A_398] {strides = array<i32>} : memref<50000xf32, #tpu.memory_space<vmem>>, vector<16xf32>,
        %max3A_400 = arith.maximumf %get3A_395, %get3A_399 : vector<16xf32>
        %ge3A_401 = arith.cmpf oge, %max3A_400, %broadcast_in_dim3A_123 : vector<16xf32>
        %all_reduce_population_count3A_402 = tpu.all_reduce %ge3A_401 {dim = 0 : i64, kind = #tpu.reduction_kind<sum>} : vector<16xi1> -> vector<16xi32>
        %add3A_403 = arith.addi %add3A_391, %iota3A_126 : vector<16xi32>
        tpu.vector_store_idx %arg7[%add3A_403], %get3A_395 : memref<20480xf32, #tpu.memory_space<vmem>>[vector<16xi32>], vector<16xf32>,
        %add3A_404 = arith.addi %add3A_391, %add3A_129 : vector<16xi32>
        tpu.vector_store_idx %arg7[%add3A_404], %get3A_399 : memref<20480xf32, #tpu.memory_space<vmem>>[vector<16xi32>], vector<16xf32>,
        %ge3A_405 = arith.constant 1 : i32
        %ge3A_406 = vector.broadcast %ge3A_405 : i32 to vector<16xi32>
        %ge3A_407 = arith.cmpi sge, %all_reduce_population_count3A_402, %ge3A_406 : vector<16xi32>
        %select_n3A_408 = arith.select %ge3A_407, %broadcast_in_dim3A_133, %broadcast_in_dim3A_137 : vector<16xi1>, vector<16xi32>
        %add3A_409 = arith.addi %add3A_391, %select_n3A_408 : vector<16xi32>
        %add3A_410 = arith.constant 256 : i32
        %add3A_411 = arith.addi %mul3A_265, %add3A_410 : i32
        %get3A_412 = arith.index_cast %add3A_411 : i32 to index
        %get3A_413 = tpu.vector_load %arg5[%get3A_412] {strides = array<i32>} : memref<50000xf32, #tpu.memory_space<vmem>>, vector<16xf32>,
        %add3A_414 = arith.constant 272 : i32
        %add3A_415 = arith.addi %mul3A_265, %add3A_414 : i32
        %get3A_416 = arith.index_cast %add3A_415 : i32 to index
        %get3A_417 = tpu.vector_load %arg5[%get3A_416] {strides = array<i32>} : memref<50000xf32, #tpu.memory_space<vmem>>, vector<16xf32>,
        %max3A_418 = arith.maximumf %get3A_413, %get3A_417 : vector<16xf32>
        %ge3A_419 = arith.cmpf oge, %max3A_418, %broadcast_in_dim3A_123 : vector<16xf32>
        %all_reduce_population_count3A_420 = tpu.all_reduce %ge3A_419 {dim = 0 : i64, kind = #tpu.reduction_kind<sum>} : vector<16xi1> -> vector<16xi32>
        %add3A_421 = arith.addi %add3A_409, %iota3A_126 : vector<16xi32>
        tpu.vector_store_idx %arg7[%add3A_421], %get3A_413 : memref<20480xf32, #tpu.memory_space<vmem>>[vector<16xi32>], vector<16xf32>,
        %add3A_422 = arith.addi %add3A_409, %add3A_129 : vector<16xi32>
        tpu.vector_store_idx %arg7[%add3A_422], %get3A_417 : memref<20480xf32, #tpu.memory_space<vmem>>[vector<16xi32>], vector<16xf32>,
        %ge3A_423 = arith.constant 1 : i32
        %ge3A_424 = vector.broadcast %ge3A_423 : i32 to vector<16xi32>
        %ge3A_425 = arith.cmpi sge, %all_reduce_population_count3A_420, %ge3A_424 : vector<16xi32>
        %select_n3A_426 = arith.select %ge3A_425, %broadcast_in_dim3A_133, %broadcast_in_dim3A_137 : vector<16xi1>, vector<16xi32>
        %add3A_427 = arith.addi %add3A_409, %select_n3A_426 : vector<16xi32>
        %add3A_428 = arith.constant 288 : i32
        %add3A_429 = arith.addi %mul3A_265, %add3A_428 : i32
        %get3A_430 = arith.index_cast %add3A_429 : i32 to index
        %get3A_431 = tpu.vector_load %arg5[%get3A_430] {strides = array<i32>} : memref<50000xf32, #tpu.memory_space<vmem>>, vector<16xf32>,
        %add3A_432 = arith.constant 304 : i32
        %add3A_433 = arith.addi %mul3A_265, %add3A_432 : i32
        %get3A_434 = arith.index_cast %add3A_433 : i32 to index
        %get3A_435 = tpu.vector_load %arg5[%get3A_434] {strides = array<i32>} : memref<50000xf32, #tpu.memory_space<vmem>>, vector<16xf32>,
        %max3A_436 = arith.maximumf %get3A_431, %get3A_435 : vector<16xf32>
        %ge3A_437 = arith.cmpf oge, %max3A_436, %broadcast_in_dim3A_123 : vector<16xf32>
        %all_reduce_population_count3A_438 = tpu.all_reduce %ge3A_437 {dim = 0 : i64, kind = #tpu.reduction_kind<sum>} : vector<16xi1> -> vector<16xi32>
        %add3A_439 = arith.addi %add3A_427, %iota3A_126 : vector<16xi32>
        tpu.vector_store_idx %arg7[%add3A_439], %get3A_431 : memref<20480xf32, #tpu.memory_space<vmem>>[vector<16xi32>], vector<16xf32>,
        %add3A_440 = arith.addi %add3A_427, %add3A_129 : vector<16xi32>
        tpu.vector_store_idx %arg7[%add3A_440], %get3A_435 : memref<20480xf32, #tpu.memory_space<vmem>>[vector<16xi32>], vector<16xf32>,
        %ge3A_441 = arith.constant 1 : i32
        %ge3A_442 = vector.broadcast %ge3A_441 : i32 to vector<16xi32>
        %ge3A_443 = arith.cmpi sge, %all_reduce_population_count3A_438, %ge3A_442 : vector<16xi32>
        %select_n3A_444 = arith.select %ge3A_443, %broadcast_in_dim3A_133, %broadcast_in_dim3A_137 : vector<16xi1>, vector<16xi32>
        %add3A_445 = arith.addi %add3A_427, %select_n3A_444 : vector<16xi32>
        %add3A_446 = arith.constant 320 : i32
        %add3A_447 = arith.addi %mul3A_265, %add3A_446 : i32
        %get3A_448 = arith.index_cast %add3A_447 : i32 to index
        %get3A_449 = tpu.vector_load %arg5[%get3A_448] {strides = array<i32>} : memref<50000xf32, #tpu.memory_space<vmem>>, vector<16xf32>,
        %add3A_450 = arith.constant 336 : i32
        %add3A_451 = arith.addi %mul3A_265, %add3A_450 : i32
        %get3A_452 = arith.index_cast %add3A_451 : i32 to index
        %get3A_453 = tpu.vector_load %arg5[%get3A_452] {strides = array<i32>} : memref<50000xf32, #tpu.memory_space<vmem>>, vector<16xf32>,
        %max3A_454 = arith.maximumf %get3A_449, %get3A_453 : vector<16xf32>
        %ge3A_455 = arith.cmpf oge, %max3A_454, %broadcast_in_dim3A_123 : vector<16xf32>
        %all_reduce_population_count3A_456 = tpu.all_reduce %ge3A_455 {dim = 0 : i64, kind = #tpu.reduction_kind<sum>} : vector<16xi1> -> vector<16xi32>
        %add3A_457 = arith.addi %add3A_445, %iota3A_126 : vector<16xi32>
        tpu.vector_store_idx %arg7[%add3A_457], %get3A_449 : memref<20480xf32, #tpu.memory_space<vmem>>[vector<16xi32>], vector<16xf32>,
        %add3A_458 = arith.addi %add3A_445, %add3A_129 : vector<16xi32>
        tpu.vector_store_idx %arg7[%add3A_458], %get3A_453 : memref<20480xf32, #tpu.memory_space<vmem>>[vector<16xi32>], vector<16xf32>,
        %ge3A_459 = arith.constant 1 : i32
        %ge3A_460 = vector.broadcast %ge3A_459 : i32 to vector<16xi32>
        %ge3A_461 = arith.cmpi sge, %all_reduce_population_count3A_456, %ge3A_460 : vector<16xi32>
        %select_n3A_462 = arith.select %ge3A_461, %broadcast_in_dim3A_133, %broadcast_in_dim3A_137 : vector<16xi1>, vector<16xi32>
        %add3A_463 = arith.addi %add3A_445, %select_n3A_462 : vector<16xi32>
        %add3A_464 = arith.constant 352 : i32
        %add3A_465 = arith.addi %mul3A_265, %add3A_464 : i32
        %get3A_466 = arith.index_cast %add3A_465 : i32 to index
        %get3A_467 = tpu.vector_load %arg5[%get3A_466] {strides = array<i32>} : memref<50000xf32, #tpu.memory_space<vmem>>, vector<16xf32>,
        %add3A_468 = arith.constant 368 : i32
        %add3A_469 = arith.addi %mul3A_265, %add3A_468 : i32
        %get3A_470 = arith.index_cast %add3A_469 : i32 to index
        %get3A_471 = tpu.vector_load %arg5[%get3A_470] {strides = array<i32>} : memref<50000xf32, #tpu.memory_space<vmem>>, vector<16xf32>,
        %max3A_472 = arith.maximumf %get3A_467, %get3A_471 : vector<16xf32>
        %ge3A_473 = arith.cmpf oge, %max3A_472, %broadcast_in_dim3A_123 : vector<16xf32>
        %all_reduce_population_count3A_474 = tpu.all_reduce %ge3A_473 {dim = 0 : i64, kind = #tpu.reduction_kind<sum>} : vector<16xi1> -> vector<16xi32>
        %add3A_475 = arith.addi %add3A_463, %iota3A_126 : vector<16xi32>
        tpu.vector_store_idx %arg7[%add3A_475], %get3A_467 : memref<20480xf32, #tpu.memory_space<vmem>>[vector<16xi32>], vector<16xf32>,
        %add3A_476 = arith.addi %add3A_463, %add3A_129 : vector<16xi32>
        tpu.vector_store_idx %arg7[%add3A_476], %get3A_471 : memref<20480xf32, #tpu.memory_space<vmem>>[vector<16xi32>], vector<16xf32>,
        %ge3A_477 = arith.constant 1 : i32
        %ge3A_478 = vector.broadcast %ge3A_477 : i32 to vector<16xi32>
        %ge3A_479 = arith.cmpi sge, %all_reduce_population_count3A_474, %ge3A_478 : vector<16xi32>
        %select_n3A_480 = arith.select %ge3A_479, %broadcast_in_dim3A_133, %broadcast_in_dim3A_137 : vector<16xi1>, vector<16xi32>
        %add3A_481 = arith.addi %add3A_463, %select_n3A_480 : vector<16xi32>
        %add3A_482 = arith.constant 384 : i32
        %add3A_483 = arith.addi %mul3A_265, %add3A_482 : i32
        %get3A_484 = arith.index_cast %add3A_483 : i32 to index
        %get3A_485 = tpu.vector_load %arg5[%get3A_484] {strides = array<i32>} : memref<50000xf32, #tpu.memory_space<vmem>>, vector<16xf32>,
        %ge3A_486 = arith.cmpf oge, %get3A_485, %broadcast_in_dim3A_123 : vector<16xf32>
        %all_reduce_population_count3A_487 = tpu.all_reduce %ge3A_486 {dim = 0 : i64, kind = #tpu.reduction_kind<sum>} : vector<16xi1> -> vector<16xi32>
        %add3A_488 = arith.addi %add3A_481, %iota3A_126 : vector<16xi32>
        tpu.vector_store_idx %arg7[%add3A_488], %get3A_485 : memref<20480xf32, #tpu.memory_space<vmem>>[vector<16xi32>], vector<16xf32>,
        %ge3A_489 = arith.constant 1 : i32
        %ge3A_490 = vector.broadcast %ge3A_489 : i32 to vector<16xi32>
        %ge3A_491 = arith.cmpi sge, %all_reduce_population_count3A_487, %ge3A_490 : vector<16xi32>
        %select_n3A_492 = arith.select %ge3A_491, %broadcast_in_dim3A_135, %broadcast_in_dim3A_137 : vector<16xi1>, vector<16xi32>
        %add3A_493 = arith.addi %add3A_481, %select_n3A_492 : vector<16xi32>
        scf.yield %add3A_493 : vector<16xi32>
      }
      %scan3A_143 = arith.constant 125 : i32
      %lt3A_144 = arith.constant 31 : i32
      %lt3A_145 = arith.cmpi slt, %scan3A_23, %lt3A_144 : i32
      %convert_element_type3A_146 = arith.extui %lt3A_145 : i1 to i32
      %cond3A_147 = arith.constant 0 : i32
      %cond3A_148 = arith.cmpi ne, %convert_element_type3A_146, %cond3A_147 : i32
      scf.if %cond3A_148 {
        %add3A_262 = arith.constant 1 : i32
        %add3A_263 = arith.addi %add3A_26, %add3A_262 : i32
        %mul3A_264 = arith.constant 100000 : i32
        %mul3A_265 = arith.muli %add3A_263, %mul3A_264 : i32
        %dma_start3A_266 = tpu.memref_slice %arg2[%mul3A_265] : memref<102400000xf32, #tpu.memory_space<hbm>> -> memref<50000xf32, #tpu.memory_space<hbm>>
        %dma_start3A_267 = tpu.memref_slice %arg2[%mul3A_265] : memref<102400000xf32, #tpu.memory_space<hbm>> -> memref<50000xf32, #tpu.memory_space<hbm>>
        tpu.enqueue_dma source(%dma_start3A_267 : memref<50000xf32, #tpu.memory_space<hbm>>) target(%arg5 : memref<50000xf32, #tpu.memory_space<vmem>>) target_semaphore(%arg12 : memref<!tpu.dma_semaphore, #tpu.memory_space<semaphore_mem>>)
      } else {
      }
      %iota3A_149 = tpu.iota {dimensions = array<i32: 0>} : vector<16xi32>
      %add3A_150 = arith.constant 16 : i32
      %add3A_151 = vector.broadcast %add3A_150 : i32 to vector<16xi32>
      %add3A_152 = arith.addi %iota3A_149, %add3A_151 : vector<16xi32>
      %broadcast_in_dim3A_153 = arith.constant 20064 : i32
      %broadcast_in_dim3A_154 = vector.broadcast %broadcast_in_dim3A_153 : i32 to vector<16xi32>
      %broadcast_in_dim3A_155 = arith.constant 32 : i32
      %broadcast_in_dim3A_156 = vector.broadcast %broadcast_in_dim3A_155 : i32 to vector<16xi32>
      %broadcast_in_dim3A_157 = arith.constant 16 : i32
      %broadcast_in_dim3A_158 = vector.broadcast %broadcast_in_dim3A_157 : i32 to vector<16xi32>
      %broadcast_in_dim3A_159 = arith.constant 0 : i32
      %broadcast_in_dim3A_160 = vector.broadcast %broadcast_in_dim3A_159 : i32 to vector<16xi32>
      %scan3A_161 = arith.constant 0 : i32
      %scan3A_162 = arith.constant 125 : i32
      %scan3A_163 = arith.addi %scan3A_161, %scan3A_162 : i32
      %scan3A_164 = arith.constant 1 : i32
      %scan3A_165 = scf.for %scan3A_262 = %scan3A_161 to %scan3A_163 step %scan3A_164 iter_args(%scan3A_263 = %scan3A_142) -> (vector<16xi32>)  : i32 {
        %mul3A_264 = arith.constant 400 : i32
        %mul3A_265 = arith.muli %scan3A_262, %mul3A_264 : i32
        %min3A_266 = arith.minsi %scan3A_263, %broadcast_in_dim3A_154 : vector<16xi32>
        %add3A_267 = arith.constant 0 : i32
        %add3A_268 = arith.addi %mul3A_265, %add3A_267 : i32
        %get3A_269 = arith.index_cast %add3A_268 : i32 to index
        %get3A_270 = tpu.vector_load %arg6[%get3A_269] {strides = array<i32>} : memref<50000xf32, #tpu.memory_space<vmem>>, vector<16xf32>,
        %add3A_271 = arith.constant 16 : i32
        %add3A_272 = arith.addi %mul3A_265, %add3A_271 : i32
        %get3A_273 = arith.index_cast %add3A_272 : i32 to index
        %get3A_274 = tpu.vector_load %arg6[%get3A_273] {strides = array<i32>} : memref<50000xf32, #tpu.memory_space<vmem>>, vector<16xf32>,
        %max3A_275 = arith.maximumf %get3A_270, %get3A_274 : vector<16xf32>
        %ge3A_276 = arith.cmpf oge, %max3A_275, %broadcast_in_dim3A_123 : vector<16xf32>
        %all_reduce_population_count3A = tpu.all_reduce %ge3A_276 {dim = 0 : i64, kind = #tpu.reduction_kind<sum>} : vector<16xi1> -> vector<16xi32>
        %add3A_277 = arith.addi %min3A_266, %iota3A_149 : vector<16xi32>
        tpu.vector_store_idx %arg7[%add3A_277], %get3A_270 : memref<20480xf32, #tpu.memory_space<vmem>>[vector<16xi32>], vector<16xf32>,
        %add3A_278 = arith.addi %min3A_266, %add3A_152 : vector<16xi32>
        tpu.vector_store_idx %arg7[%add3A_278], %get3A_274 : memref<20480xf32, #tpu.memory_space<vmem>>[vector<16xi32>], vector<16xf32>,
        %ge3A_279 = arith.constant 1 : i32
        %ge3A_280 = vector.broadcast %ge3A_279 : i32 to vector<16xi32>
        %ge3A_281 = arith.cmpi sge, %all_reduce_population_count3A, %ge3A_280 : vector<16xi32>
        %select_n3A_282 = arith.select %ge3A_281, %broadcast_in_dim3A_156, %broadcast_in_dim3A_160 : vector<16xi1>, vector<16xi32>
        %add3A_283 = arith.addi %min3A_266, %select_n3A_282 : vector<16xi32>
        %add3A_284 = arith.constant 32 : i32
        %add3A_285 = arith.addi %mul3A_265, %add3A_284 : i32
        %get3A_286 = arith.index_cast %add3A_285 : i32 to index
        %get3A_287 = tpu.vector_load %arg6[%get3A_286] {strides = array<i32>} : memref<50000xf32, #tpu.memory_space<vmem>>, vector<16xf32>,
        %add3A_288 = arith.constant 48 : i32
        %add3A_289 = arith.addi %mul3A_265, %add3A_288 : i32
        %get3A_290 = arith.index_cast %add3A_289 : i32 to index
        %get3A_291 = tpu.vector_load %arg6[%get3A_290] {strides = array<i32>} : memref<50000xf32, #tpu.memory_space<vmem>>, vector<16xf32>,
        %max3A_292 = arith.maximumf %get3A_287, %get3A_291 : vector<16xf32>
        %ge3A_293 = arith.cmpf oge, %max3A_292, %broadcast_in_dim3A_123 : vector<16xf32>
        %all_reduce_population_count3A_294 = tpu.all_reduce %ge3A_293 {dim = 0 : i64, kind = #tpu.reduction_kind<sum>} : vector<16xi1> -> vector<16xi32>
        %add3A_295 = arith.addi %add3A_283, %iota3A_149 : vector<16xi32>
        tpu.vector_store_idx %arg7[%add3A_295], %get3A_287 : memref<20480xf32, #tpu.memory_space<vmem>>[vector<16xi32>], vector<16xf32>,
        %add3A_296 = arith.addi %add3A_283, %add3A_152 : vector<16xi32>
        tpu.vector_store_idx %arg7[%add3A_296], %get3A_291 : memref<20480xf32, #tpu.memory_space<vmem>>[vector<16xi32>], vector<16xf32>,
        %ge3A_297 = arith.constant 1 : i32
        %ge3A_298 = vector.broadcast %ge3A_297 : i32 to vector<16xi32>
        %ge3A_299 = arith.cmpi sge, %all_reduce_population_count3A_294, %ge3A_298 : vector<16xi32>
        %select_n3A_300 = arith.select %ge3A_299, %broadcast_in_dim3A_156, %broadcast_in_dim3A_160 : vector<16xi1>, vector<16xi32>
        %add3A_301 = arith.addi %add3A_283, %select_n3A_300 : vector<16xi32>
        %add3A_302 = arith.constant 64 : i32
        %add3A_303 = arith.addi %mul3A_265, %add3A_302 : i32
        %get3A_304 = arith.index_cast %add3A_303 : i32 to index
        %get3A_305 = tpu.vector_load %arg6[%get3A_304] {strides = array<i32>} : memref<50000xf32, #tpu.memory_space<vmem>>, vector<16xf32>,
        %add3A_306 = arith.constant 80 : i32
        %add3A_307 = arith.addi %mul3A_265, %add3A_306 : i32
        %get3A_308 = arith.index_cast %add3A_307 : i32 to index
        %get3A_309 = tpu.vector_load %arg6[%get3A_308] {strides = array<i32>} : memref<50000xf32, #tpu.memory_space<vmem>>, vector<16xf32>,
        %max3A_310 = arith.maximumf %get3A_305, %get3A_309 : vector<16xf32>
        %ge3A_311 = arith.cmpf oge, %max3A_310, %broadcast_in_dim3A_123 : vector<16xf32>
        %all_reduce_population_count3A_312 = tpu.all_reduce %ge3A_311 {dim = 0 : i64, kind = #tpu.reduction_kind<sum>} : vector<16xi1> -> vector<16xi32>
        %add3A_313 = arith.addi %add3A_301, %iota3A_149 : vector<16xi32>
        tpu.vector_store_idx %arg7[%add3A_313], %get3A_305 : memref<20480xf32, #tpu.memory_space<vmem>>[vector<16xi32>], vector<16xf32>,
        %add3A_314 = arith.addi %add3A_301, %add3A_152 : vector<16xi32>
        tpu.vector_store_idx %arg7[%add3A_314], %get3A_309 : memref<20480xf32, #tpu.memory_space<vmem>>[vector<16xi32>], vector<16xf32>,
        %ge3A_315 = arith.constant 1 : i32
        %ge3A_316 = vector.broadcast %ge3A_315 : i32 to vector<16xi32>
        %ge3A_317 = arith.cmpi sge, %all_reduce_population_count3A_312, %ge3A_316 : vector<16xi32>
        %select_n3A_318 = arith.select %ge3A_317, %broadcast_in_dim3A_156, %broadcast_in_dim3A_160 : vector<16xi1>, vector<16xi32>
        %add3A_319 = arith.addi %add3A_301, %select_n3A_318 : vector<16xi32>
        %add3A_320 = arith.constant 96 : i32
        %add3A_321 = arith.addi %mul3A_265, %add3A_320 : i32
        %get3A_322 = arith.index_cast %add3A_321 : i32 to index
        %get3A_323 = tpu.vector_load %arg6[%get3A_322] {strides = array<i32>} : memref<50000xf32, #tpu.memory_space<vmem>>, vector<16xf32>,
        %add3A_324 = arith.constant 112 : i32
        %add3A_325 = arith.addi %mul3A_265, %add3A_324 : i32
        %get3A_326 = arith.index_cast %add3A_325 : i32 to index
        %get3A_327 = tpu.vector_load %arg6[%get3A_326] {strides = array<i32>} : memref<50000xf32, #tpu.memory_space<vmem>>, vector<16xf32>,
        %max3A_328 = arith.maximumf %get3A_323, %get3A_327 : vector<16xf32>
        %ge3A_329 = arith.cmpf oge, %max3A_328, %broadcast_in_dim3A_123 : vector<16xf32>
        %all_reduce_population_count3A_330 = tpu.all_reduce %ge3A_329 {dim = 0 : i64, kind = #tpu.reduction_kind<sum>} : vector<16xi1> -> vector<16xi32>
        %add3A_331 = arith.addi %add3A_319, %iota3A_149 : vector<16xi32>
        tpu.vector_store_idx %arg7[%add3A_331], %get3A_323 : memref<20480xf32, #tpu.memory_space<vmem>>[vector<16xi32>], vector<16xf32>,
        %add3A_332 = arith.addi %add3A_319, %add3A_152 : vector<16xi32>
        tpu.vector_store_idx %arg7[%add3A_332], %get3A_327 : memref<20480xf32, #tpu.memory_space<vmem>>[vector<16xi32>], vector<16xf32>,
        %ge3A_333 = arith.constant 1 : i32
        %ge3A_334 = vector.broadcast %ge3A_333 : i32 to vector<16xi32>
        %ge3A_335 = arith.cmpi sge, %all_reduce_population_count3A_330, %ge3A_334 : vector<16xi32>
        %select_n3A_336 = arith.select %ge3A_335, %broadcast_in_dim3A_156, %broadcast_in_dim3A_160 : vector<16xi1>, vector<16xi32>
        %add3A_337 = arith.addi %add3A_319, %select_n3A_336 : vector<16xi32>
        %add3A_338 = arith.constant 128 : i32
        %add3A_339 = arith.addi %mul3A_265, %add3A_338 : i32
        %get3A_340 = arith.index_cast %add3A_339 : i32 to index
        %get3A_341 = tpu.vector_load %arg6[%get3A_340] {strides = array<i32>} : memref<50000xf32, #tpu.memory_space<vmem>>, vector<16xf32>,
        %add3A_342 = arith.constant 144 : i32
        %add3A_343 = arith.addi %mul3A_265, %add3A_342 : i32
        %get3A_344 = arith.index_cast %add3A_343 : i32 to index
        %get3A_345 = tpu.vector_load %arg6[%get3A_344] {strides = array<i32>} : memref<50000xf32, #tpu.memory_space<vmem>>, vector<16xf32>,
        %max3A_346 = arith.maximumf %get3A_341, %get3A_345 : vector<16xf32>
        %ge3A_347 = arith.cmpf oge, %max3A_346, %broadcast_in_dim3A_123 : vector<16xf32>
        %all_reduce_population_count3A_348 = tpu.all_reduce %ge3A_347 {dim = 0 : i64, kind = #tpu.reduction_kind<sum>} : vector<16xi1> -> vector<16xi32>
        %add3A_349 = arith.addi %add3A_337, %iota3A_149 : vector<16xi32>
        tpu.vector_store_idx %arg7[%add3A_349], %get3A_341 : memref<20480xf32, #tpu.memory_space<vmem>>[vector<16xi32>], vector<16xf32>,
        %add3A_350 = arith.addi %add3A_337, %add3A_152 : vector<16xi32>
        tpu.vector_store_idx %arg7[%add3A_350], %get3A_345 : memref<20480xf32, #tpu.memory_space<vmem>>[vector<16xi32>], vector<16xf32>,
        %ge3A_351 = arith.constant 1 : i32
        %ge3A_352 = vector.broadcast %ge3A_351 : i32 to vector<16xi32>
        %ge3A_353 = arith.cmpi sge, %all_reduce_population_count3A_348, %ge3A_352 : vector<16xi32>
        %select_n3A_354 = arith.select %ge3A_353, %broadcast_in_dim3A_156, %broadcast_in_dim3A_160 : vector<16xi1>, vector<16xi32>
        %add3A_355 = arith.addi %add3A_337, %select_n3A_354 : vector<16xi32>
        %add3A_356 = arith.constant 160 : i32
        %add3A_357 = arith.addi %mul3A_265, %add3A_356 : i32
        %get3A_358 = arith.index_cast %add3A_357 : i32 to index
        %get3A_359 = tpu.vector_load %arg6[%get3A_358] {strides = array<i32>} : memref<50000xf32, #tpu.memory_space<vmem>>, vector<16xf32>,
        %add3A_360 = arith.constant 176 : i32
        %add3A_361 = arith.addi %mul3A_265, %add3A_360 : i32
        %get3A_362 = arith.index_cast %add3A_361 : i32 to index
        %get3A_363 = tpu.vector_load %arg6[%get3A_362] {strides = array<i32>} : memref<50000xf32, #tpu.memory_space<vmem>>, vector<16xf32>,
        %max3A_364 = arith.maximumf %get3A_359, %get3A_363 : vector<16xf32>
        %ge3A_365 = arith.cmpf oge, %max3A_364, %broadcast_in_dim3A_123 : vector<16xf32>
        %all_reduce_population_count3A_366 = tpu.all_reduce %ge3A_365 {dim = 0 : i64, kind = #tpu.reduction_kind<sum>} : vector<16xi1> -> vector<16xi32>
        %add3A_367 = arith.addi %add3A_355, %iota3A_149 : vector<16xi32>
        tpu.vector_store_idx %arg7[%add3A_367], %get3A_359 : memref<20480xf32, #tpu.memory_space<vmem>>[vector<16xi32>], vector<16xf32>,
        %add3A_368 = arith.addi %add3A_355, %add3A_152 : vector<16xi32>
        tpu.vector_store_idx %arg7[%add3A_368], %get3A_363 : memref<20480xf32, #tpu.memory_space<vmem>>[vector<16xi32>], vector<16xf32>,
        %ge3A_369 = arith.constant 1 : i32
        %ge3A_370 = vector.broadcast %ge3A_369 : i32 to vector<16xi32>
        %ge3A_371 = arith.cmpi sge, %all_reduce_population_count3A_366, %ge3A_370 : vector<16xi32>
        %select_n3A_372 = arith.select %ge3A_371, %broadcast_in_dim3A_156, %broadcast_in_dim3A_160 : vector<16xi1>, vector<16xi32>
        %add3A_373 = arith.addi %add3A_355, %select_n3A_372 : vector<16xi32>
        %add3A_374 = arith.constant 192 : i32
        %add3A_375 = arith.addi %mul3A_265, %add3A_374 : i32
        %get3A_376 = arith.index_cast %add3A_375 : i32 to index
        %get3A_377 = tpu.vector_load %arg6[%get3A_376] {strides = array<i32>} : memref<50000xf32, #tpu.memory_space<vmem>>, vector<16xf32>,
        %add3A_378 = arith.constant 208 : i32
        %add3A_379 = arith.addi %mul3A_265, %add3A_378 : i32
        %get3A_380 = arith.index_cast %add3A_379 : i32 to index
        %get3A_381 = tpu.vector_load %arg6[%get3A_380] {strides = array<i32>} : memref<50000xf32, #tpu.memory_space<vmem>>, vector<16xf32>,
        %max3A_382 = arith.maximumf %get3A_377, %get3A_381 : vector<16xf32>
        %ge3A_383 = arith.cmpf oge, %max3A_382, %broadcast_in_dim3A_123 : vector<16xf32>
        %all_reduce_population_count3A_384 = tpu.all_reduce %ge3A_383 {dim = 0 : i64, kind = #tpu.reduction_kind<sum>} : vector<16xi1> -> vector<16xi32>
        %add3A_385 = arith.addi %add3A_373, %iota3A_149 : vector<16xi32>
        tpu.vector_store_idx %arg7[%add3A_385], %get3A_377 : memref<20480xf32, #tpu.memory_space<vmem>>[vector<16xi32>], vector<16xf32>,
        %add3A_386 = arith.addi %add3A_373, %add3A_152 : vector<16xi32>
        tpu.vector_store_idx %arg7[%add3A_386], %get3A_381 : memref<20480xf32, #tpu.memory_space<vmem>>[vector<16xi32>], vector<16xf32>,
        %ge3A_387 = arith.constant 1 : i32
        %ge3A_388 = vector.broadcast %ge3A_387 : i32 to vector<16xi32>
        %ge3A_389 = arith.cmpi sge, %all_reduce_population_count3A_384, %ge3A_388 : vector<16xi32>
        %select_n3A_390 = arith.select %ge3A_389, %broadcast_in_dim3A_156, %broadcast_in_dim3A_160 : vector<16xi1>, vector<16xi32>
        %add3A_391 = arith.addi %add3A_373, %select_n3A_390 : vector<16xi32>
        %add3A_392 = arith.constant 224 : i32
        %add3A_393 = arith.addi %mul3A_265, %add3A_392 : i32
        %get3A_394 = arith.index_cast %add3A_393 : i32 to index
        %get3A_395 = tpu.vector_load %arg6[%get3A_394] {strides = array<i32>} : memref<50000xf32, #tpu.memory_space<vmem>>, vector<16xf32>,
        %add3A_396 = arith.constant 240 : i32
        %add3A_397 = arith.addi %mul3A_265, %add3A_396 : i32
        %get3A_398 = arith.index_cast %add3A_397 : i32 to index
        %get3A_399 = tpu.vector_load %arg6[%get3A_398] {strides = array<i32>} : memref<50000xf32, #tpu.memory_space<vmem>>, vector<16xf32>,
        %max3A_400 = arith.maximumf %get3A_395, %get3A_399 : vector<16xf32>
        %ge3A_401 = arith.cmpf oge, %max3A_400, %broadcast_in_dim3A_123 : vector<16xf32>
        %all_reduce_population_count3A_402 = tpu.all_reduce %ge3A_401 {dim = 0 : i64, kind = #tpu.reduction_kind<sum>} : vector<16xi1> -> vector<16xi32>
        %add3A_403 = arith.addi %add3A_391, %iota3A_149 : vector<16xi32>
        tpu.vector_store_idx %arg7[%add3A_403], %get3A_395 : memref<20480xf32, #tpu.memory_space<vmem>>[vector<16xi32>], vector<16xf32>,
        %add3A_404 = arith.addi %add3A_391, %add3A_152 : vector<16xi32>
        tpu.vector_store_idx %arg7[%add3A_404], %get3A_399 : memref<20480xf32, #tpu.memory_space<vmem>>[vector<16xi32>], vector<16xf32>,
        %ge3A_405 = arith.constant 1 : i32
        %ge3A_406 = vector.broadcast %ge3A_405 : i32 to vector<16xi32>
        %ge3A_407 = arith.cmpi sge, %all_reduce_population_count3A_402, %ge3A_406 : vector<16xi32>
        %select_n3A_408 = arith.select %ge3A_407, %broadcast_in_dim3A_156, %broadcast_in_dim3A_160 : vector<16xi1>, vector<16xi32>
        %add3A_409 = arith.addi %add3A_391, %select_n3A_408 : vector<16xi32>
        %add3A_410 = arith.constant 256 : i32
        %add3A_411 = arith.addi %mul3A_265, %add3A_410 : i32
        %get3A_412 = arith.index_cast %add3A_411 : i32 to index
        %get3A_413 = tpu.vector_load %arg6[%get3A_412] {strides = array<i32>} : memref<50000xf32, #tpu.memory_space<vmem>>, vector<16xf32>,
        %add3A_414 = arith.constant 272 : i32
        %add3A_415 = arith.addi %mul3A_265, %add3A_414 : i32
        %get3A_416 = arith.index_cast %add3A_415 : i32 to index
        %get3A_417 = tpu.vector_load %arg6[%get3A_416] {strides = array<i32>} : memref<50000xf32, #tpu.memory_space<vmem>>, vector<16xf32>,
        %max3A_418 = arith.maximumf %get3A_413, %get3A_417 : vector<16xf32>
        %ge3A_419 = arith.cmpf oge, %max3A_418, %broadcast_in_dim3A_123 : vector<16xf32>
        %all_reduce_population_count3A_420 = tpu.all_reduce %ge3A_419 {dim = 0 : i64, kind = #tpu.reduction_kind<sum>} : vector<16xi1> -> vector<16xi32>
        %add3A_421 = arith.addi %add3A_409, %iota3A_149 : vector<16xi32>
        tpu.vector_store_idx %arg7[%add3A_421], %get3A_413 : memref<20480xf32, #tpu.memory_space<vmem>>[vector<16xi32>], vector<16xf32>,
        %add3A_422 = arith.addi %add3A_409, %add3A_152 : vector<16xi32>
        tpu.vector_store_idx %arg7[%add3A_422], %get3A_417 : memref<20480xf32, #tpu.memory_space<vmem>>[vector<16xi32>], vector<16xf32>,
        %ge3A_423 = arith.constant 1 : i32
        %ge3A_424 = vector.broadcast %ge3A_423 : i32 to vector<16xi32>
        %ge3A_425 = arith.cmpi sge, %all_reduce_population_count3A_420, %ge3A_424 : vector<16xi32>
        %select_n3A_426 = arith.select %ge3A_425, %broadcast_in_dim3A_156, %broadcast_in_dim3A_160 : vector<16xi1>, vector<16xi32>
        %add3A_427 = arith.addi %add3A_409, %select_n3A_426 : vector<16xi32>
        %add3A_428 = arith.constant 288 : i32
        %add3A_429 = arith.addi %mul3A_265, %add3A_428 : i32
        %get3A_430 = arith.index_cast %add3A_429 : i32 to index
        %get3A_431 = tpu.vector_load %arg6[%get3A_430] {strides = array<i32>} : memref<50000xf32, #tpu.memory_space<vmem>>, vector<16xf32>,
        %add3A_432 = arith.constant 304 : i32
        %add3A_433 = arith.addi %mul3A_265, %add3A_432 : i32
        %get3A_434 = arith.index_cast %add3A_433 : i32 to index
        %get3A_435 = tpu.vector_load %arg6[%get3A_434] {strides = array<i32>} : memref<50000xf32, #tpu.memory_space<vmem>>, vector<16xf32>,
        %max3A_436 = arith.maximumf %get3A_431, %get3A_435 : vector<16xf32>
        %ge3A_437 = arith.cmpf oge, %max3A_436, %broadcast_in_dim3A_123 : vector<16xf32>
        %all_reduce_population_count3A_438 = tpu.all_reduce %ge3A_437 {dim = 0 : i64, kind = #tpu.reduction_kind<sum>} : vector<16xi1> -> vector<16xi32>
        %add3A_439 = arith.addi %add3A_427, %iota3A_149 : vector<16xi32>
        tpu.vector_store_idx %arg7[%add3A_439], %get3A_431 : memref<20480xf32, #tpu.memory_space<vmem>>[vector<16xi32>], vector<16xf32>,
        %add3A_440 = arith.addi %add3A_427, %add3A_152 : vector<16xi32>
        tpu.vector_store_idx %arg7[%add3A_440], %get3A_435 : memref<20480xf32, #tpu.memory_space<vmem>>[vector<16xi32>], vector<16xf32>,
        %ge3A_441 = arith.constant 1 : i32
        %ge3A_442 = vector.broadcast %ge3A_441 : i32 to vector<16xi32>
        %ge3A_443 = arith.cmpi sge, %all_reduce_population_count3A_438, %ge3A_442 : vector<16xi32>
        %select_n3A_444 = arith.select %ge3A_443, %broadcast_in_dim3A_156, %broadcast_in_dim3A_160 : vector<16xi1>, vector<16xi32>
        %add3A_445 = arith.addi %add3A_427, %select_n3A_444 : vector<16xi32>
        %add3A_446 = arith.constant 320 : i32
        %add3A_447 = arith.addi %mul3A_265, %add3A_446 : i32
        %get3A_448 = arith.index_cast %add3A_447 : i32 to index
        %get3A_449 = tpu.vector_load %arg6[%get3A_448] {strides = array<i32>} : memref<50000xf32, #tpu.memory_space<vmem>>, vector<16xf32>,
        %add3A_450 = arith.constant 336 : i32
        %add3A_451 = arith.addi %mul3A_265, %add3A_450 : i32
        %get3A_452 = arith.index_cast %add3A_451 : i32 to index
        %get3A_453 = tpu.vector_load %arg6[%get3A_452] {strides = array<i32>} : memref<50000xf32, #tpu.memory_space<vmem>>, vector<16xf32>,
        %max3A_454 = arith.maximumf %get3A_449, %get3A_453 : vector<16xf32>
        %ge3A_455 = arith.cmpf oge, %max3A_454, %broadcast_in_dim3A_123 : vector<16xf32>
        %all_reduce_population_count3A_456 = tpu.all_reduce %ge3A_455 {dim = 0 : i64, kind = #tpu.reduction_kind<sum>} : vector<16xi1> -> vector<16xi32>
        %add3A_457 = arith.addi %add3A_445, %iota3A_149 : vector<16xi32>
        tpu.vector_store_idx %arg7[%add3A_457], %get3A_449 : memref<20480xf32, #tpu.memory_space<vmem>>[vector<16xi32>], vector<16xf32>,
        %add3A_458 = arith.addi %add3A_445, %add3A_152 : vector<16xi32>
        tpu.vector_store_idx %arg7[%add3A_458], %get3A_453 : memref<20480xf32, #tpu.memory_space<vmem>>[vector<16xi32>], vector<16xf32>,
        %ge3A_459 = arith.constant 1 : i32
        %ge3A_460 = vector.broadcast %ge3A_459 : i32 to vector<16xi32>
        %ge3A_461 = arith.cmpi sge, %all_reduce_population_count3A_456, %ge3A_460 : vector<16xi32>
        %select_n3A_462 = arith.select %ge3A_461, %broadcast_in_dim3A_156, %broadcast_in_dim3A_160 : vector<16xi1>, vector<16xi32>
        %add3A_463 = arith.addi %add3A_445, %select_n3A_462 : vector<16xi32>
        %add3A_464 = arith.constant 352 : i32
        %add3A_465 = arith.addi %mul3A_265, %add3A_464 : i32
        %get3A_466 = arith.index_cast %add3A_465 : i32 to index
        %get3A_467 = tpu.vector_load %arg6[%get3A_466] {strides = array<i32>} : memref<50000xf32, #tpu.memory_space<vmem>>, vector<16xf32>,
        %add3A_468 = arith.constant 368 : i32
        %add3A_469 = arith.addi %mul3A_265, %add3A_468 : i32
        %get3A_470 = arith.index_cast %add3A_469 : i32 to index
        %get3A_471 = tpu.vector_load %arg6[%get3A_470] {strides = array<i32>} : memref<50000xf32, #tpu.memory_space<vmem>>, vector<16xf32>,
        %max3A_472 = arith.maximumf %get3A_467, %get3A_471 : vector<16xf32>
        %ge3A_473 = arith.cmpf oge, %max3A_472, %broadcast_in_dim3A_123 : vector<16xf32>
        %all_reduce_population_count3A_474 = tpu.all_reduce %ge3A_473 {dim = 0 : i64, kind = #tpu.reduction_kind<sum>} : vector<16xi1> -> vector<16xi32>
        %add3A_475 = arith.addi %add3A_463, %iota3A_149 : vector<16xi32>
        tpu.vector_store_idx %arg7[%add3A_475], %get3A_467 : memref<20480xf32, #tpu.memory_space<vmem>>[vector<16xi32>], vector<16xf32>,
        %add3A_476 = arith.addi %add3A_463, %add3A_152 : vector<16xi32>
        tpu.vector_store_idx %arg7[%add3A_476], %get3A_471 : memref<20480xf32, #tpu.memory_space<vmem>>[vector<16xi32>], vector<16xf32>,
        %ge3A_477 = arith.constant 1 : i32
        %ge3A_478 = vector.broadcast %ge3A_477 : i32 to vector<16xi32>
        %ge3A_479 = arith.cmpi sge, %all_reduce_population_count3A_474, %ge3A_478 : vector<16xi32>
        %select_n3A_480 = arith.select %ge3A_479, %broadcast_in_dim3A_156, %broadcast_in_dim3A_160 : vector<16xi1>, vector<16xi32>
        %add3A_481 = arith.addi %add3A_463, %select_n3A_480 : vector<16xi32>
        %add3A_482 = arith.constant 384 : i32
        %add3A_483 = arith.addi %mul3A_265, %add3A_482 : i32
        %get3A_484 = arith.index_cast %add3A_483 : i32 to index
        %get3A_485 = tpu.vector_load %arg6[%get3A_484] {strides = array<i32>} : memref<50000xf32, #tpu.memory_space<vmem>>, vector<16xf32>,
        %ge3A_486 = arith.cmpf oge, %get3A_485, %broadcast_in_dim3A_123 : vector<16xf32>
        %all_reduce_population_count3A_487 = tpu.all_reduce %ge3A_486 {dim = 0 : i64, kind = #tpu.reduction_kind<sum>} : vector<16xi1> -> vector<16xi32>
        %add3A_488 = arith.addi %add3A_481, %iota3A_149 : vector<16xi32>
        tpu.vector_store_idx %arg7[%add3A_488], %get3A_485 : memref<20480xf32, #tpu.memory_space<vmem>>[vector<16xi32>], vector<16xf32>,
        %ge3A_489 = arith.constant 1 : i32
        %ge3A_490 = vector.broadcast %ge3A_489 : i32 to vector<16xi32>
        %ge3A_491 = arith.cmpi sge, %all_reduce_population_count3A_487, %ge3A_490 : vector<16xi32>
        %select_n3A_492 = arith.select %ge3A_491, %broadcast_in_dim3A_158, %broadcast_in_dim3A_160 : vector<16xi1>, vector<16xi32>
        %add3A_493 = arith.addi %add3A_481, %select_n3A_492 : vector<16xi32>
        scf.yield %add3A_493 : vector<16xi32>
      }
      %scan3A_166 = arith.constant 125 : i32
      %lt3A_167 = arith.constant 31 : i32
      %lt3A_168 = arith.cmpi slt, %scan3A_23, %lt3A_167 : i32
      %convert_element_type3A_169 = arith.extui %lt3A_168 : i1 to i32
      %cond3A_170 = arith.constant 0 : i32
      %cond3A_171 = arith.cmpi ne, %convert_element_type3A_169, %cond3A_170 : i32
      scf.if %cond3A_171 {
        %add3A_262 = arith.constant 1 : i32
        %add3A_263 = arith.addi %add3A_26, %add3A_262 : i32
        %mul3A_264 = arith.constant 100000 : i32
        %mul3A_265 = arith.muli %add3A_263, %mul3A_264 : i32
        %add3A_266 = arith.constant 50000 : i32
        %add3A_267 = arith.addi %mul3A_265, %add3A_266 : i32
        %dma_start3A_268 = tpu.memref_slice %arg2[%add3A_267] : memref<102400000xf32, #tpu.memory_space<hbm>> -> memref<50000xf32, #tpu.memory_space<hbm>>
        %dma_start3A_269 = tpu.memref_slice %arg2[%add3A_267] : memref<102400000xf32, #tpu.memory_space<hbm>> -> memref<50000xf32, #tpu.memory_space<hbm>>
        tpu.enqueue_dma source(%dma_start3A_269 : memref<50000xf32, #tpu.memory_space<hbm>>) target(%arg6 : memref<50000xf32, #tpu.memory_space<vmem>>) target_semaphore(%arg13 : memref<!tpu.dma_semaphore, #tpu.memory_space<semaphore_mem>>)
      } else {
      }
      %slice3A = vector.extract_strided_slice %scan3A_165 {offsets = [0], sizes = [1], strides = [1]} : vector<16xi32> to vector<1xi32>
      %squeeze3A = vector.extract %slice3A[0] : i32 from vector<1xi32>
      %min3A_172 = arith.constant 20480 : i32
      %min3A_173 = arith.minsi %squeeze3A, %min3A_172 : i32
      %while3A = arith.constant 1.000000e+00 : f32
      %while3A_174 = arith.constant -3.000000e+38 : f32
      %while3A_175 = arith.constant 0 : i32
      %while3A_176:3 = scf.while (%while3A_262 = %while3A, %while3A_263 = %while3A_174, %while3A_264 = %while3A_175) : (f32, f32, i32) -> (f32, f32, i32) {
        %ne3A_265 = arith.cmpf one, %while3A_262, %while3A_263 : f32
        %lt3A_266 = arith.constant 32 : i32
        %lt3A_267 = arith.cmpi slt, %while3A_264, %lt3A_266 : i32
        %and3A_268 = arith.andi %ne3A_265, %lt3A_267 : i1
        scf.condition(%and3A_268) %while3A_262, %while3A_263, %while3A_264 : f32, f32, i32
      } do {
      ^bb0(%while3A_262: f32, %while3A_263: f32, %while3A_264: i32):
        %add3A_265 = arith.constant 16 : i32
        %add3A_266 = arith.addi %min3A_173, %add3A_265 : i32
        %sub3A_267 = arith.constant 1 : i32
        %sub3A_268 = arith.subi %add3A_266, %sub3A_267 : i32
        %jit3A_269 = arith.constant 16 : i32
        %div3A_270 = arith.divsi %sub3A_268, %jit3A_269 : i32
        %sign3A_271 = arith.constant 0 : i32
        %sign3A_272 = arith.cmpi sgt, %sub3A_268, %sign3A_271 : i32
        %sign3A_273 = arith.extui %sign3A_272 : i1 to i32
        %sign3A_274 = arith.constant 0 : i32
        %sign3A_275 = arith.cmpi slt, %sub3A_268, %sign3A_274 : i32
        %sign3A_276 = arith.extui %sign3A_275 : i1 to i32
        %sign3A_277 = arith.subi %sign3A_273, %sign3A_276 : i32
        %sign3A_278 = arith.constant 0 : i32
        %sign3A_279 = arith.cmpi sgt, %jit3A_269, %sign3A_278 : i32
        %sign3A_280 = arith.extui %sign3A_279 : i1 to i32
        %sign3A_281 = arith.constant 0 : i32
        %sign3A_282 = arith.cmpi slt, %jit3A_269, %sign3A_281 : i32
        %sign3A_283 = arith.extui %sign3A_282 : i1 to i32
        %sign3A_284 = arith.subi %sign3A_280, %sign3A_283 : i32
        %ne3A_285 = arith.cmpi ne, %sign3A_277, %sign3A_284 : i32
        %rem3A_286 = arith.remsi %sub3A_268, %jit3A_269 : i32
        %ne3A_287 = arith.constant 0 : i32
        %ne3A_288 = arith.cmpi ne, %rem3A_286, %ne3A_287 : i32
        %and3A_289 = arith.andi %ne3A_285, %ne3A_288 : i1
        %sub3A_290 = arith.constant 1 : i32
        %sub3A_291 = arith.subi %div3A_270, %sub3A_290 : i32
        %select_n3A_292 = arith.select %and3A_289, %sub3A_291, %div3A_270 : i32
        %iota3A_293 = tpu.iota {dimensions = array<i32: 0>} : vector<16xi32>
        %broadcast_in_dim3A_294 = arith.constant 0.000000e+00 : f32
        %broadcast_in_dim3A_295 = vector.broadcast %broadcast_in_dim3A_294 : f32 to vector<16xf32>
        %while3A_296 = arith.constant 0 : i32
        %while3A_297 = arith.subi %select_n3A_292, %while3A_296 : i32
        %while3A_298 = arith.addi %while3A_296, %while3A_297 : i32
        %while3A_299 = arith.constant 1 : i32
        %while3A_300 = arith.divsi %while3A_297, %while3A_299 : i32
        %while3A_301 = arith.muli %while3A_300, %while3A_299 : i32
        %while3A_302 = arith.addi %while3A_296, %while3A_301 : i32
        %while3A_303 = arith.constant 1 : i32
        %while3A_304:2 = scf.for %while3A_324 = %while3A_296 to %while3A_302 step %while3A_303 iter_args(%while3A_325 = %broadcast_in_dim3A_295, %while3A_326 = %broadcast_in_dim3A_295) -> (vector<16xf32>, vector<16xf32>)  : i32 {
          %mul3A_327 = arith.constant 16 : i32
          %mul3A_328 = arith.muli %while3A_324, %mul3A_327 : i32
          %get3A_329 = arith.index_cast %mul3A_328 : i32 to index
          %get3A_330 = tpu.vector_load %arg7[%get3A_329] {strides = array<i32>} : memref<20480xf32, #tpu.memory_space<vmem>>, vector<16xf32>,
          %mul3A_331 = arith.constant 16 : i32
          %mul3A_332 = arith.muli %while3A_324, %mul3A_331 : i32
          %add3A_333 = vector.broadcast %mul3A_332 : i32 to vector<16xi32>
          %add3A_334 = arith.addi %add3A_333, %iota3A_293 : vector<16xi32>
          %lt3A_335 = vector.broadcast %min3A_173 : i32 to vector<16xi32>
          %lt3A_336 = arith.cmpi slt, %add3A_334, %lt3A_335 : vector<16xi32>
          %gt3A = vector.broadcast %while3A_263 : f32 to vector<16xf32>
          %gt3A_337 = arith.cmpf ogt, %get3A_330, %gt3A : vector<16xf32>
          %and3A_338 = arith.andi %gt3A_337, %lt3A_336 : vector<16xi1>
          %jit3A_339 = arith.constant 0.000000e+00 : f32
          %broadcast_in_dim3A_340 = vector.broadcast %jit3A_339 : f32 to vector<16xf32>
          %select_n3A_341 = arith.select %and3A_338, %get3A_330, %broadcast_in_dim3A_340 : vector<16xi1>, vector<16xf32>
          %add3A_342 = arith.addf %while3A_325, %select_n3A_341 : vector<16xf32>
          %jit3A_343 = arith.constant 1.000000e+00 : f32
          %jit3A_344 = arith.constant 0.000000e+00 : f32
          %broadcast_in_dim3A_345 = vector.broadcast %jit3A_343 : f32 to vector<16xf32>
          %broadcast_in_dim3A_346 = vector.broadcast %jit3A_344 : f32 to vector<16xf32>
          %select_n3A_347 = arith.select %and3A_338, %broadcast_in_dim3A_345, %broadcast_in_dim3A_346 : vector<16xi1>, vector<16xf32>
          %add3A_348 = arith.addf %while3A_326, %select_n3A_347 : vector<16xf32>
          scf.yield %add3A_342, %add3A_348 : vector<16xf32>, vector<16xf32>
        }
        %while3A_305 = arith.constant 1 : i32
        %while3A_306:2 = scf.for %while3A_324 = %while3A_302 to %while3A_298 step %while3A_305 iter_args(%while3A_325 = %while3A_304#0, %while3A_326 = %while3A_304#1) -> (vector<16xf32>, vector<16xf32>)  : i32 {
          %mul3A_327 = arith.constant 16 : i32
          %mul3A_328 = arith.muli %while3A_324, %mul3A_327 : i32
          %get3A_329 = arith.index_cast %mul3A_328 : i32 to index
          %get3A_330 = tpu.vector_load %arg7[%get3A_329] {strides = array<i32>} : memref<20480xf32, #tpu.memory_space<vmem>>, vector<16xf32>,
          %mul3A_331 = arith.constant 16 : i32
          %mul3A_332 = arith.muli %while3A_324, %mul3A_331 : i32
          %add3A_333 = vector.broadcast %mul3A_332 : i32 to vector<16xi32>
          %add3A_334 = arith.addi %add3A_333, %iota3A_293 : vector<16xi32>
          %lt3A_335 = vector.broadcast %min3A_173 : i32 to vector<16xi32>
          %lt3A_336 = arith.cmpi slt, %add3A_334, %lt3A_335 : vector<16xi32>
          %gt3A = vector.broadcast %while3A_263 : f32 to vector<16xf32>
          %gt3A_337 = arith.cmpf ogt, %get3A_330, %gt3A : vector<16xf32>
          %and3A_338 = arith.andi %gt3A_337, %lt3A_336 : vector<16xi1>
          %jit3A_339 = arith.constant 0.000000e+00 : f32
          %broadcast_in_dim3A_340 = vector.broadcast %jit3A_339 : f32 to vector<16xf32>
          %select_n3A_341 = arith.select %and3A_338, %get3A_330, %broadcast_in_dim3A_340 : vector<16xi1>, vector<16xf32>
          %add3A_342 = arith.addf %while3A_325, %select_n3A_341 : vector<16xf32>
          %jit3A_343 = arith.constant 1.000000e+00 : f32
          %jit3A_344 = arith.constant 0.000000e+00 : f32
          %broadcast_in_dim3A_345 = vector.broadcast %jit3A_343 : f32 to vector<16xf32>
          %broadcast_in_dim3A_346 = vector.broadcast %jit3A_344 : f32 to vector<16xf32>
          %select_n3A_347 = arith.select %and3A_338, %broadcast_in_dim3A_345, %broadcast_in_dim3A_346 : vector<16xi1>, vector<16xf32>
          %add3A_348 = arith.addf %while3A_326, %select_n3A_347 : vector<16xf32>
          scf.yield %add3A_342, %add3A_348 : vector<16xf32>, vector<16xf32>
        }
        %reduce_sum3A_307 = arith.constant true
        %reduce_sum3A_308 = vector.broadcast %reduce_sum3A_307 : i1 to vector<16xi1>
        %reduce_sum3A_309 = tpu.scan <sum>, %while3A_306#0 masked %reduce_sum3A_308 : vector<16xf32>, vector<16xi1> -> vector<16xf32>
        %reduce_sum3A_310 = vector.extract %reduce_sum3A_309[15] : f32 from vector<16xf32>
        %reduce_sum3A_311 = arith.constant true
        %reduce_sum3A_312 = vector.broadcast %reduce_sum3A_311 : i1 to vector<16xi1>
        %reduce_sum3A_313 = tpu.scan <sum>, %while3A_306#1 masked %reduce_sum3A_312 : vector<16xf32>, vector<16xi1> -> vector<16xf32>
        %reduce_sum3A_314 = vector.extract %reduce_sum3A_313[15] : f32 from vector<16xf32>
        %sub3A_315 = arith.constant 1.000000e+00 : f32
        %sub3A_316 = arith.subf %reduce_sum3A_310, %sub3A_315 : f32
        %broadcast_in_dim3A_317 = vector.broadcast %sub3A_316 : f32 to vector<16xf32>
        %broadcast_in_dim3A_318 = vector.broadcast %reduce_sum3A_314 : f32 to vector<16xf32>
        %div3A_319 = arith.divf %broadcast_in_dim3A_317, %broadcast_in_dim3A_318 : vector<16xf32>
        %slice3A_320 = vector.extract_strided_slice %div3A_319 {offsets = [0], sizes = [1], strides = [1]} : vector<16xf32> to vector<1xf32>
        %squeeze3A_321 = vector.extract %slice3A_320[0] : f32 from vector<1xf32>
        %add3A_322 = arith.constant 1 : i32
        %add3A_323 = arith.addi %while3A_264, %add3A_322 : i32
        scf.yield %while3A_263, %squeeze3A_321, %add3A_323 : f32, f32, i32
      }
      %iota3A_177 = tpu.iota {dimensions = array<i32: 0>} : vector<16xi32>
      %add3A_178 = arith.constant 16 : i32
      %add3A_179 = arith.addi %min3A_173, %add3A_178 : i32
      %sub3A_180 = arith.constant 1 : i32
      %sub3A_181 = arith.subi %add3A_179, %sub3A_180 : i32
      %jit3A_182 = arith.constant 16 : i32
      %div3A = arith.divsi %sub3A_181, %jit3A_182 : i32
      %sign3A = arith.constant 0 : i32
      %sign3A_183 = arith.cmpi sgt, %sub3A_181, %sign3A : i32
      %sign3A_184 = arith.extui %sign3A_183 : i1 to i32
      %sign3A_185 = arith.constant 0 : i32
      %sign3A_186 = arith.cmpi slt, %sub3A_181, %sign3A_185 : i32
      %sign3A_187 = arith.extui %sign3A_186 : i1 to i32
      %sign3A_188 = arith.subi %sign3A_184, %sign3A_187 : i32
      %sign3A_189 = arith.constant 0 : i32
      %sign3A_190 = arith.cmpi sgt, %jit3A_182, %sign3A_189 : i32
      %sign3A_191 = arith.extui %sign3A_190 : i1 to i32
      %sign3A_192 = arith.constant 0 : i32
      %sign3A_193 = arith.cmpi slt, %jit3A_182, %sign3A_192 : i32
      %sign3A_194 = arith.extui %sign3A_193 : i1 to i32
      %sign3A_195 = arith.subi %sign3A_191, %sign3A_194 : i32
      %ne3A = arith.cmpi ne, %sign3A_188, %sign3A_195 : i32
      %rem3A = arith.remsi %sub3A_181, %jit3A_182 : i32
      %ne3A_196 = arith.constant 0 : i32
      %ne3A_197 = arith.cmpi ne, %rem3A, %ne3A_196 : i32
      %and3A_198 = arith.andi %ne3A, %ne3A_197 : i1
      %sub3A_199 = arith.constant 1 : i32
      %sub3A_200 = arith.subi %div3A, %sub3A_199 : i32
      %select_n3A_201 = arith.select %and3A_198, %sub3A_200, %div3A : i32
      %while3A_202 = arith.constant 0 : i32
      %while3A_203 = arith.subi %select_n3A_201, %while3A_202 : i32
      %while3A_204 = arith.addi %while3A_202, %while3A_203 : i32
      %while3A_205 = arith.constant 1 : i32
      %while3A_206 = arith.divsi %while3A_203, %while3A_205 : i32
      %while3A_207 = arith.muli %while3A_206, %while3A_205 : i32
      %while3A_208 = arith.addi %while3A_202, %while3A_207 : i32
      %while3A_209 = arith.constant 1 : i32
      %while3A_210:2 = scf.for %while3A_262 = %while3A_202 to %while3A_208 step %while3A_209 iter_args(%while3A_263 = %broadcast_in_dim3A_61, %while3A_264 = %broadcast_in_dim3A_61) -> (vector<16xf32>, vector<16xf32>)  : i32 {
        %mul3A_265 = arith.constant 16 : i32
        %mul3A_266 = arith.muli %while3A_262, %mul3A_265 : i32
        %get3A_267 = arith.index_cast %mul3A_266 : i32 to index
        %get3A_268 = tpu.vector_load %arg7[%get3A_267] {strides = array<i32>} : memref<20480xf32, #tpu.memory_space<vmem>>, vector<16xf32>,
        %mul3A_269 = arith.constant 16 : i32
        %mul3A_270 = arith.muli %while3A_262, %mul3A_269 : i32
        %add3A_271 = vector.broadcast %mul3A_270 : i32 to vector<16xi32>
        %add3A_272 = arith.addi %add3A_271, %iota3A_177 : vector<16xi32>
        %lt3A_273 = vector.broadcast %min3A_173 : i32 to vector<16xi32>
        %lt3A_274 = arith.cmpi slt, %add3A_272, %lt3A_273 : vector<16xi32>
        %gt3A = vector.broadcast %while3A_176#1 : f32 to vector<16xf32>
        %gt3A_275 = arith.cmpf ogt, %get3A_268, %gt3A : vector<16xf32>
        %and3A_276 = arith.andi %gt3A_275, %lt3A_274 : vector<16xi1>
        %sub3A_277 = vector.broadcast %reduce_max3A_106 : f32 to vector<16xf32>
        %sub3A_278 = arith.subf %get3A_268, %sub3A_277 : vector<16xf32>
        %mul3A_279 = arith.mulf %sub3A_278, %sub3A_278 : vector<16xf32>
        %jit3A_280 = arith.constant 0.000000e+00 : f32
        %broadcast_in_dim3A_281 = vector.broadcast %jit3A_280 : f32 to vector<16xf32>
        %select_n3A_282 = arith.select %and3A_276, %mul3A_279, %broadcast_in_dim3A_281 : vector<16xi1>, vector<16xf32>
        %add3A_283 = arith.addf %while3A_263, %select_n3A_282 : vector<16xf32>
        %jit3A_284 = arith.constant 1.000000e+00 : f32
        %jit3A_285 = arith.constant 0.000000e+00 : f32
        %broadcast_in_dim3A_286 = vector.broadcast %jit3A_284 : f32 to vector<16xf32>
        %broadcast_in_dim3A_287 = vector.broadcast %jit3A_285 : f32 to vector<16xf32>
        %select_n3A_288 = arith.select %and3A_276, %broadcast_in_dim3A_286, %broadcast_in_dim3A_287 : vector<16xi1>, vector<16xf32>
        %add3A_289 = arith.addf %while3A_264, %select_n3A_288 : vector<16xf32>
        scf.yield %add3A_283, %add3A_289 : vector<16xf32>, vector<16xf32>
      }
      %while3A_211 = arith.constant 1 : i32
      %while3A_212:2 = scf.for %while3A_262 = %while3A_208 to %while3A_204 step %while3A_211 iter_args(%while3A_263 = %while3A_210#0, %while3A_264 = %while3A_210#1) -> (vector<16xf32>, vector<16xf32>)  : i32 {
        %mul3A_265 = arith.constant 16 : i32
        %mul3A_266 = arith.muli %while3A_262, %mul3A_265 : i32
        %get3A_267 = arith.index_cast %mul3A_266 : i32 to index
        %get3A_268 = tpu.vector_load %arg7[%get3A_267] {strides = array<i32>} : memref<20480xf32, #tpu.memory_space<vmem>>, vector<16xf32>,
        %mul3A_269 = arith.constant 16 : i32
        %mul3A_270 = arith.muli %while3A_262, %mul3A_269 : i32
        %add3A_271 = vector.broadcast %mul3A_270 : i32 to vector<16xi32>
        %add3A_272 = arith.addi %add3A_271, %iota3A_177 : vector<16xi32>
        %lt3A_273 = vector.broadcast %min3A_173 : i32 to vector<16xi32>
        %lt3A_274 = arith.cmpi slt, %add3A_272, %lt3A_273 : vector<16xi32>
        %gt3A = vector.broadcast %while3A_176#1 : f32 to vector<16xf32>
        %gt3A_275 = arith.cmpf ogt, %get3A_268, %gt3A : vector<16xf32>
        %and3A_276 = arith.andi %gt3A_275, %lt3A_274 : vector<16xi1>
        %sub3A_277 = vector.broadcast %reduce_max3A_106 : f32 to vector<16xf32>
        %sub3A_278 = arith.subf %get3A_268, %sub3A_277 : vector<16xf32>
        %mul3A_279 = arith.mulf %sub3A_278, %sub3A_278 : vector<16xf32>
        %jit3A_280 = arith.constant 0.000000e+00 : f32
        %broadcast_in_dim3A_281 = vector.broadcast %jit3A_280 : f32 to vector<16xf32>
        %select_n3A_282 = arith.select %and3A_276, %mul3A_279, %broadcast_in_dim3A_281 : vector<16xi1>, vector<16xf32>
        %add3A_283 = arith.addf %while3A_263, %select_n3A_282 : vector<16xf32>
        %jit3A_284 = arith.constant 1.000000e+00 : f32
        %jit3A_285 = arith.constant 0.000000e+00 : f32
        %broadcast_in_dim3A_286 = vector.broadcast %jit3A_284 : f32 to vector<16xf32>
        %broadcast_in_dim3A_287 = vector.broadcast %jit3A_285 : f32 to vector<16xf32>
        %select_n3A_288 = arith.select %and3A_276, %broadcast_in_dim3A_286, %broadcast_in_dim3A_287 : vector<16xi1>, vector<16xf32>
        %add3A_289 = arith.addf %while3A_264, %select_n3A_288 : vector<16xf32>
        scf.yield %add3A_283, %add3A_289 : vector<16xf32>, vector<16xf32>
      }
      %reduce_sum3A_213 = arith.constant true
      %reduce_sum3A_214 = vector.broadcast %reduce_sum3A_213 : i1 to vector<16xi1>
      %reduce_sum3A_215 = tpu.scan <sum>, %while3A_212#0 masked %reduce_sum3A_214 : vector<16xf32>, vector<16xi1> -> vector<16xf32>
      %reduce_sum3A_216 = vector.extract %reduce_sum3A_215[15] : f32 from vector<16xf32>
      %reduce_sum3A_217 = arith.constant true
      %reduce_sum3A_218 = vector.broadcast %reduce_sum3A_217 : i1 to vector<16xi1>
      %reduce_sum3A_219 = tpu.scan <sum>, %while3A_212#1 masked %reduce_sum3A_218 : vector<16xf32>, vector<16xi1> -> vector<16xf32>
      %reduce_sum3A_220 = vector.extract %reduce_sum3A_219[15] : f32 from vector<16xf32>
      %mul3A_221 = arith.constant 2.000000e+00 : f32
      %mul3A_222 = arith.mulf %mul3A_221, %reduce_max3A_106 : f32
      %mul3A_223 = arith.mulf %mul3A_222, %reduce_sum3A_113 : f32
      %sub3A_224 = arith.subf %reduce_sum3A_120, %mul3A_223 : f32
      %mul3A_225 = arith.constant 1.000000e+05 : f32
      %mul3A_226 = arith.mulf %mul3A_225, %reduce_max3A_106 : f32
      %mul3A_227 = arith.mulf %mul3A_226, %reduce_max3A_106 : f32
      %add3A_228 = arith.addf %sub3A_224, %mul3A_227 : f32
      %sub3A_229 = arith.subf %while3A_176#1, %reduce_max3A_106 : f32
      %sub3A_230 = arith.subf %add3A_228, %reduce_sum3A_216 : f32
      %mul3A_231 = arith.mulf %sub3A_229, %sub3A_229 : f32
      %sub3A_232 = arith.constant 1.000000e+05 : f32
      %sub3A_233 = arith.subf %sub3A_232, %reduce_sum3A_220 : f32
      %mul3A_234 = arith.mulf %mul3A_231, %sub3A_233 : f32
      %sub3A_235 = arith.subf %sub3A_230, %mul3A_234 : f32
      %add3A_236 = arith.constant 1.000000e+00 : f32
      %add3A_237 = arith.addf %sub3A_235, %add3A_236 : f32
      %mul3A_238 = arith.constant 5.000000e-01 : f32
      %mul3A_239 = arith.mulf %mul3A_238, %add3A_237 : f32
      %get3A_240 = arith.constant 0 : i32
      %get3A_241 = arith.index_cast %get3A_240 : i32 to index
      %get3A_242 = memref.load %arg11[%get3A_241] : memref<1xf32, #tpu.memory_space<smem>>
      %sub3A_243 = arith.subf %mul3A_239, %get3A_242 : f32
      %sub3A_244 = arith.constant 0 : i32
      %sub3A_245 = arith.subi %scan3A_23, %sub3A_244 : i32
      %eq3A_246 = vector.broadcast %sub3A_245 : i32 to vector<16xi32>
      %eq3A_247 = arith.cmpi eq, %iota3A_177, %eq3A_246 : vector<16xi32>
      %broadcast_in_dim3A_248 = vector.broadcast %sub3A_243 : f32 to vector<16xf32>
      %broadcast_in_dim3A_249 = arith.constant 0.000000e+00 : f32
      %broadcast_in_dim3A_250 = vector.broadcast %broadcast_in_dim3A_249 : f32 to vector<16xf32>
      %select_n3A_251 = arith.select %eq3A_247, %broadcast_in_dim3A_248, %broadcast_in_dim3A_250 : vector<16xi1>, vector<16xf32>
      %add3A_252 = arith.addf %scan3A_24, %select_n3A_251 : vector<16xf32>
      %sub3A_253 = arith.constant 16 : i32
      %sub3A_254 = arith.subi %scan3A_23, %sub3A_253 : i32
      %eq3A_255 = vector.broadcast %sub3A_254 : i32 to vector<16xi32>
      %eq3A_256 = arith.cmpi eq, %iota3A_177, %eq3A_255 : vector<16xi32>
      %broadcast_in_dim3A_257 = vector.broadcast %sub3A_243 : f32 to vector<16xf32>
      %broadcast_in_dim3A_258 = arith.constant 0.000000e+00 : f32
      %broadcast_in_dim3A_259 = vector.broadcast %broadcast_in_dim3A_258 : f32 to vector<16xf32>
      %select_n3A_260 = arith.select %eq3A_256, %broadcast_in_dim3A_257, %broadcast_in_dim3A_259 : vector<16xi1>, vector<16xf32>
      %add3A_261 = arith.addf %scan3A_25, %select_n3A_260 : vector<16xf32>
      scf.yield %add3A_252, %add3A_261 : vector<16xf32>, vector<16xf32>
    }
    %scan3A_19 = arith.constant 32 : i32
    %swap3A = arith.constant 0 : index
    %swap3A_20 = tpu.vector_load %arg9[%swap3A] {strides = array<i32>} : memref<32xf32, #tpu.memory_space<vmem>>, vector<16xf32>,
    tpu.vector_store %arg9[%swap3A], %scan3A_18#0 {strides = array<i32>} : memref<32xf32, #tpu.memory_space<vmem>>, vector<16xf32>,
    %swap3A_21 = arith.constant 16 : index
    %swap3A_22 = tpu.vector_load %arg9[%swap3A_21] {strides = array<i32>} : memref<32xf32, #tpu.memory_space<vmem>>, vector<16xf32>,
    tpu.vector_store %arg9[%swap3A_21], %scan3A_18#1 {strides = array<i32>} : memref<32xf32, #tpu.memory_space<vmem>>, vector<16xf32>,
    "tpu.region"() ({
      %run_scoped3A = tpu.sem_alloc : memref<!tpu.dma_semaphore, #tpu.memory_space<semaphore_mem>>
      %dma_start3A_23 = tpu.memref_slice %arg4[%mul3A_2] : memref<1024xf32, #tpu.memory_space<hbm>> -> memref<32xf32, #tpu.memory_space<hbm>>
      %dma_start3A_24 = tpu.memref_slice %arg4[%mul3A_2] : memref<1024xf32, #tpu.memory_space<hbm>> -> memref<32xf32, #tpu.memory_space<hbm>>
      tpu.enqueue_dma source(%arg9 : memref<32xf32, #tpu.memory_space<vmem>>) target(%dma_start3A_24 : memref<32xf32, #tpu.memory_space<hbm>>) target_semaphore(%run_scoped3A : memref<!tpu.dma_semaphore, #tpu.memory_space<semaphore_mem>>)
      %dma_wait3A = tpu.memref_slice %arg4[%mul3A_2] : memref<1024xf32, #tpu.memory_space<hbm>> -> memref<32xf32, #tpu.memory_space<hbm>>
      %dma_wait3A_25 = tpu.memref_slice %arg4[%mul3A_2] : memref<1024xf32, #tpu.memory_space<hbm>> -> memref<32xf32, #tpu.memory_space<hbm>>
      tpu.wait_dma2 semaphore(%run_scoped3A : memref<!tpu.dma_semaphore, #tpu.memory_space<semaphore_mem>>) src(%arg9 : memref<32xf32, #tpu.memory_space<vmem>>) dst(%dma_wait3A_25 : memref<32xf32, #tpu.memory_space<hbm>>)
      tpu.yield
    }) : () -> ()
    return
  }
}

</mosaic_0001>

<sc_bundles>
// kernel: kernel.3.cloned.1.call-start
scs
__scs_entry_jumppad:
0x0: {  	(pc) =	sbr.rel $0x88, $3  }
0x1: {  	(tag) =	ssettag $0x0;
	lr =	simm.s32 $0x1  }
0x2: {  	[smem:$0x3F9F] =	sst lr;
	_ =	strace $0xD0000000  }
0x3: {  	_ = 	snop  }
0x4: {  	_ = 	snop  }
0x5: {  	_ = 	snop  }
0x6: {  	_ = 	snop  }
0x7: {  	_ = 	snop  }
__scs_overlays_trampoline_lowered:
0x8: {  	[smem:$0x3FAE] =	sst s0  }
0x9: {  	[smem:$0x3FAF] =	sst s1  }
0xa: {  	[smem:$0x3FB0] =	sst s2  }
0xb: {  	[smem:$0x3FB1] =	sst s3  }
0xc: {  	[smem:$0x3FB2] =	sst s4  }
0xd: {  	[smem:$0x3FB3] =	sst s5  }
0xe: {  	[smem:$0x3FB4] =	sst s6  }
0xf: {  	[smem:$0x3FB5] =	sst s7  }
0x10: {  	[smem:$0x3FB6] =	sst s8  }
0x11: {  	[smem:$0x3FB7] =	sst s9;
	s0 =	simm.s32 @!p0 $0x0  }
0x12: {  	s1 =	sld [smem:$0x3F9D];
	s0 =	simm.s32 @p0 $0x1  }
0x13: {  	[smem:$0x3FB8] =	sst s0;
	s0 =	simm.s32 @!p1 $0x0  }
0x14: {  	s2 =	sld [smem:$0x3F9C];
	s0 =	simm.s32 @p1 $0x1  }
0x15: {  	[smem:$0x3FB9] =	sst s0;
	s0 =	simm.s32 @!p2 $0x0  }
0x16: {  	s3 =	sld [smem:$0x3FDB];
	s0 =	simm.s32 @p2 $0x1  }
0x17: {  	s4 =	simm.s32 $0x1BF5;
	[smem:$0x3FBB] =	sst s0  }
0x18: {  	s0 =	sld [smem:$0x3F9E];
	_ =	swait.ge [sflag:s4], $0x0  }
0x19: {  	s7 =	sld [smem:$0x3F9F]  }
0x1a: {  	s8 =	sadd.s32 $0xFFFFE003, lr  }
0x1b: {  	s9 =	sadd.s32 $0xFFFFFEF7, lr;
	s5 =	simm.s32 $0xFFFFFFFF;
	p2 =	slt.u32 s8, $0xFFFFF086  }
0x1c: {  	p1 =	slt.u32 s9, $0xF7A;
	s5 =	simm.s32 @!p2 $0x0  }
0x1d: {  	s5 =	simm.s32 @p1 $0x1;
	p0 =	seq.s32 s7, s2  }
0x1e: {  	s7 =	smul.u32 @!p0 $0xF7A, s2;
	p2 =	seq.s32 @!p0 s5, $0x0  }
0x1f: {  	s9 =	smul.u32 $0xF7A, s1;
	s8 =	simm.s32 @!p0 $0x1BF5;
	p2 =	por !p2, p0  }
0x20: {  	[sflag:s8] =	ssyncset.s32 @!p0 $0xFFFFF086;
	s6 =	sadd.s32 @!p0 s3, s7;
	s7 =	simm.s32 @!p0 $0x108  }
0x21: {  	s3 =	sadd.s32 s3, s9;
	s6 =	sadd.s32 @!p0 $0x88, s6;
	s7 =	simm.s32 @p2 $0x1082  }
0x22: {  	[simem:s7], [sflag:s8] =	dma.local @!p0 [hbm:s6], $0xF7A  }
0x23: {  	s9 =	sor.u32 $0xD0000000, s2;
	s6 =	simm.s32 $0x108;
	_ =	swait.ge @!p0 [sflag:s8], $0x0  }
0x24: {  	s3 =	sadd.s32 $0x88, s3;
	s6 =	simm.s32 @!p1 $0x1082;
	[sflag:s4] =	ssyncset.s32 $0xFFFFF086  }
0x25: {  	[simem:s6], [sflag:s4] =	dma.local [hbm:s3], $0xF7A  }
0x26: {  	[smem:$0x3F9F] =	sst s1;
	(tag) =	ssettag s2;
	_ =	strace s9  }
0x27: {  	s1 =	sld [smem:$0x3FAF]  }
0x28: {  	s2 =	sld [smem:$0x3FB0]  }
0x29: {  	s4 =	sld [smem:$0x3FB2]  }
0x2a: {  	p0 =	seq.s32 s5, $0x0;
	s5 =	sld [smem:$0x3FB3]  }
0x2b: {  	s6 =	sld [smem:$0x3FB4]  }
0x2c: {  	s7 =	sld [smem:$0x3FB5]  }
0x2d: {  	s3 =	simm.s32 $0x108;
	s8 =	sld [smem:$0x3FB6]  }
0x2e: {  	s3 =	simm.s32 @!p0 $0x1082;
	s9 =	sld [smem:$0x3FB7]  }
0x2f: {  	lr =	sadd.s32 s0, s3;
	s0 =	sld [smem:$0x3FAE]  }
0x30: {  	s3 =	sld [smem:$0x3FB1]  }
0x31: {  	[smem:$0x3FBA] =	sst s10  }
0x32: {  	s10 =	sld [smem:$0x3FB8];
	_ =	sdelay $0x3  }
0x33: {  	p0 =	seq.s32 s10, $0x1;
	s10 =	sld [smem:$0x3FBA];
	_ =	sdelay $0x3  }
0x34: {  	[smem:$0x3FBA] =	sst s10  }
0x35: {  	s10 =	sld [smem:$0x3FB9];
	_ =	sdelay $0x3  }
0x36: {  	p1 =	seq.s32 s10, $0x1;
	s10 =	sld [smem:$0x3FBA];
	_ =	sdelay $0x3  }
0x37: {  	[smem:$0x3FBA] =	sst s10  }
0x38: {  	s10 =	sld [smem:$0x3FBB]  }
0x39: {  	_ = 	snop;
	(pc) =	sbr.ind lr, $3  }
0x3a: {  	_ = 	snop  }
0x3b: {  	_ = 	snop  }
0x3c: {  	p2 =	seq.s32 s10, $0x1;
	s10 =	sld [smem:$0x3FBA]  }
0x3d: {  	_ =	shalt  }
0x3e: {  	_ =	shalt  }
0x3f: {  	_ =	shalt  }
0x40: {  	_ =	shalt  }
0x41: {  	_ =	shalt  }
0x42: {  	_ =	shalt  }
0x43: {  	_ =	shalt  }
0x44: {  	_ =	shalt  }
0x45: {  	_ =	shalt  }
0x46: {  	_ =	shalt  }
0x47: {  	_ =	shalt  }
0x48: {  	_ =	shalt  }
0x49: {  	_ =	shalt  }
0x4a: {  	_ =	shalt  }
0x4b: {  	_ =	shalt  }
0x4c: {  	_ =	shalt  }
0x4d: {  	_ =	shalt  }
0x4e: {  	_ =	shalt  }
0x4f: {  	_ =	shalt  }
0x50: {  	_ =	shalt  }
0x51: {  	_ =	shalt  }
0x52: {  	_ =	shalt  }
0x53: {  	_ =	shalt  }
0x54: {  	_ =	shalt  }
0x55: {  	_ =	shalt  }
0x56: {  	_ =	shalt  }
0x57: {  	_ =	shalt  }
0x58: {  	_ =	shalt  }
0x59: {  	_ =	shalt  }
0x5a: {  	_ =	shalt  }
0x5b: {  	_ =	shalt  }
0x5c: {  	_ =	shalt  }
0x5d: {  	_ =	shalt  }
0x5e: {  	_ =	shalt  }
0x5f: {  	_ =	shalt  }
0x60: {  	_ =	shalt  }
0x61: {  	_ =	shalt  }
0x62: {  	_ =	shalt  }
0x63: {  	_ =	shalt  }
0x64: {  	_ =	shalt  }
0x65: {  	_ =	shalt  }
0x66: {  	_ =	shalt  }
0x67: {  	_ =	shalt  }
0x68: {  	_ =	shalt  }
0x69: {  	_ =	shalt  }
0x6a: {  	_ =	shalt  }
0x6b: {  	_ =	shalt  }
0x6c: {  	_ =	shalt  }
0x6d: {  	_ =	shalt  }
0x6e: {  	_ =	shalt  }
0x6f: {  	_ =	shalt  }
0x70: {  	_ =	shalt  }
0x71: {  	_ =	shalt  }
0x72: {  	_ =	shalt  }
0x73: {  	_ =	shalt  }
0x74: {  	_ =	shalt  }
0x75: {  	_ =	shalt  }
0x76: {  	_ =	shalt  }
0x77: {  	_ =	shalt  }
0x78: {  	_ =	shalt  }
0x79: {  	_ =	shalt  }
0x7a: {  	_ =	shalt  }
0x7b: {  	_ =	shalt  }
0x7c: {  	_ =	shalt  }
0x7d: {  	_ =	shalt  }
0x7e: {  	_ =	shalt  }
0x7f: {  	_ =	shalt  }
0x80: {  	_ =	shalt  }
0x81: {  	_ =	shalt  }
0x82: {  	_ =	shalt  }
0x83: {  	_ =	shalt  }
0x84: {  	_ =	shalt  }
0x85: {  	_ =	shalt  }
0x86: {  	_ =	shalt  }
0x87: {  	_ =	shalt  }
.Lfunc_end0:
.L_simem_size_0:
called_computation_lowered:
.L_overlay_start_0:
0x88: {  	s2 =	sld [smem:$0x3FD9]  }
0x89: {  	s3 =	sld [smem:$0x3FFE];
	_ =	sdelay $0x1  }
0x8a: {  	s1 =	srdreg.scid  }
0x8b: {  	s0 =	sand.u32 $0x1, s1  }
0x8c: {  	s17 =	sshll.u32 s0, $0xA;
	s2 =	sadd.s32 s3, s2  }
0x8d: {  	s2 =	sadd.s32 s2, s17  }
0x8e: {  	[smem:$0x3FC6] =	sst s2  }
0x8f: {  	_ = 	snop  }
0x90: {  	s2 =	sld [smem:$0x3FC8];
	(tm) =	ssettm $0x1  }
0x91: {  	s18 =	sld [smem:$0x3FFB];
	_ =	sdelay $0x3  }
0x92: {  	_ =	strace s18  }
0x93: {  	s3 =	sld [smem:$0x3FFC];
	_ =	sdelay $0x3  }
0x94: {  	_ =	strace s3  }
0x95: {  	s3 =	sld [smem:$0x3FFD];
	_ =	sdelay $0x3  }
0x96: {  	_ =	strace s3  }
0x97: {  	_ =	strace $0x8FFFFFFF  }
0x98: {  	s19 =	sld [smem:$0x3FDB];
	_ =	sdelay $0x1  }
0x99: {  	s4 =	simm.s32 $_scs_section_size  }
0x9a: {  	s5 =	simm.s32 $_size__tile_overlayer_lowered;
	s6 =	simm.s32 $_tile_overlayer_lowered  }
0x9b: {  	s22 =	simm.s32 $0x1BFF;
	s21 =	sshll.u32 s6, $0x1;
	s3 =	sadd.s32 s4, s19  }
0x9c: {  	s7 =	simm.s32 $0x0;
	s20 =	sshll.u32 s5, $0x1;
	s5 =	sadd.s32 s21, s3  }
0x9d: {  	[timem:s7], [sflag:s22] =	dma.local [hbm:s5], s20  }
0x9e: {  	_ =	swait.ge [sflag:s22], s20  }
0x9f: {  	s4 =	ssub.s32 $0x0, s20;
	[sflag:s22] =	ssyncset.done $0x0  }
0xa0: {  	[sflag:s22] =	ssyncadd.s32 s4;
	_ =	sdelay $0x1  }
0xa1: {  	s23 =	simm.s32 $0x1B8B  }
0xa2: {  	_ =	swait.ge [sflag:s23], $0x1  }
0xa3: {  	[sflag:s23] =	ssyncset.done $0x0  }
0xa4: {  	s25 =	simm.s32 $0x1B8E;
	s24 =	sld [smem:$0x3FFE];
	[sflag:s23] =	ssyncadd.s32 $0xFFFFFFFF  }
0xa5: {  	s26 =	simm.s32 $execute0_lowered;
	[smem:$0x3FD2] =	sst s25  }
0xa6: {  	s5 =	sshll.u32 s26, $0x1;
	_ =	strace $0x80000046;
	[dreg:$0x1] =	wrdreg $0xFFFFFFFF  }
0xa7: {  	s28 =	simm.s32 $_size_execute0_lowered;
	s3 =	sadd.s32 s3, s5;
	[dreg:$0x0] =	wrdreg $0x0  }
0xa8: {  	s5 =	sshll.u32 s28, $0x1;
	[dreg:$0x2] =	wrdreg s3  }
0xa9: {  	[dreg:$0x3] =	wrdreg s5  }
0xaa: {  	[dreg:$0x4] =	wrdreg $0xC0  }
0xab: {  	_ =	task [dreg:s7], $0x5FFFF  }
0xac: {  	[dreg:$0x1] =	wrdreg $0xFFFFFFFF  }
0xad: {  	[dreg:$0x0] =	wrdreg $0x60  }
0xae: {  	[dreg:$0x2] =	wrdreg s24  }
0xaf: {  	[dreg:$0x3] =	wrdreg s2  }
0xb0: {  	[dreg:$0x4] =	wrdreg $0x9  }
0xb1: {  	_ =	task.clear_ibuf [dreg:s7], $0x5FFFF;
	_ =	strace $0x90000046  }
0xb2: {  	s29 =	simm.s32 $0x9;
	_ =	strace $0x80000048  }
0xb3: {  	_ =	swait.ge [sflag:s29], $0x1  }
0xb4: {  	[sflag:s29] =	ssyncadd.s32 $0xFFFFFFFF  }
0xb5: {  	_ =	strace $0x90000048  }
0xb6: {  	_ =	sfence  }
0xb7: {  	s30 =	sld [smem:$0x0];
	_ =	sdelay $0x2  }
0xb8: {  	s31 =	sshll.u32 s1, $0xD;
	s1 =	sshrl.u32 s1, $0x2  }
0xb9: {  	s3 =	sand.u32 $0x4000, s31;
	s1 =	sadd.s32 s1, s30  }
0xba: {  	s0 =	sor.u32 s3, s0;
	s1 =	sshll.u32 s1, $0x11  }
0xbb: {  	s0 =	sor.u32 s1, s0  }
0xbc: {  	s0 =	sadd.s32 $0x8F2B, s0  }
0xbd: {  	[sflag:s0] =	ssyncadd.remote.s32 $0x1  }
0xbe: {  	_ =	sfence.sel $0xFFFF  }
0xbf: {  	[dreg:$0x0] =	wrdreg $0xFFFFFFFF;
	(pc) =	sbr.abs _section_cstart, $3  }
0xc0: {  	[dreg:$0x1] =	wrdreg $0xFFFFFFFF  }
0xc1: {  	_ =	task.clear_ibuf [dreg:s7], $0x2FFFF;
	_ =	strace $0x9FFFFFFF  }
0xc2: {  	(tm) =	ssettm $0x7FFFFFFF  }
0xc3: {  	_ =	shalt  }
tec
execute0_lowered:
.L_overlay_start_1:
0x0: {  	(tag) =	ssettag $0x1  }
0x1: {  	s8 =	rddreg [dreg:$0x0]  }
0x2: {  	s1 =	srdreg.scid;
	s0 =	stileid.u32  }
0x3: {  	s6 =	rddreg [dreg:$0x1];
	s2 =	simm.s32 $0x0;
	s11 =	simm.s32 $0x3  }
0x4: {  	s12 =	simm.s32 $0xC380;
	s13 =	simm.s32 $0x1;
	s14 =	simm.s32 $0x2  }
0x5: {  	s15 =	simm.s32 $0x18700;
	s3 =	sand.u32 $0x1, s1;
	s4 =	sshll.u32 s0, $0x1  }
0x6: {  	s16 =	simm.s32 $0x1D780;
	s1 =	rddreg [dreg:$0x2];
	s5 =	sor.u32 s3, s4  }
0x7: {  	s17 =	simm.s32 $0x0;
	[smem:$0x7FF] =	sst s2;
	s7 =	smul.u32 $0x30D400, s5  }
.Ltmp0:
0x8: {  	s31 =	ssub.s32 $0x2, s3;
	_ =	strace $0x80000047;
	(pc) =	sbr.rel .LBB2_1-.Ltmp0, $4  }
0x9: {  	s3 =	sadd.s32 $0xC38000, s8;
	s9 =	sshrl.u32 s31, $0x1;
	s4 =	sshll.u32 s5, $0x5  }
0xa: {  	s10 =	sshll.u32 s5, $0x2;
	s9 =	ssub.s32 s31, s9;
	s7 =	sshrl.u32 s7, $0x3  }
0xb: {  	s6 =	sadd.s32 s6, s10;
	s8 =	sadd.s32 s8, s10;
	s5 =	sadd.s32 s3, s7  }
0xc: {  	v0 =	vlaneseq.u32;
	v1 =	vimm.s32 $0x0;
	v2 =	vimm.f32 $0.0e+00;
	s10 =	simm.s32 $0x1D700;
	s9 =	smax.u32 s9, $0x1;
	s7 =	sadd.s32 $0x186A, s5  }
.LBB2_23:
0xd: {  	s17 =	sadd.s32 $0x1, s17  }
0xe: {  	[tilespmem:$0x1D780] =	vst v4;
	p0 =	sne.s32 s17, s9  }
.Ltmp1:
0xf: {  	[tilespmem:$0x1D790] =	vst v3;
	(pc) =	sbr.rel @!p0 .LBB2_24-.Ltmp1, $4  }
0x10: {  	[hbm4b:s8+s2] =	stream.linear.scatter [tilespmem:s16], [sflag:$0x3], $0x20, $0x38;
	[tilespmem:$0x1D800] =	vst v63  }
0x11: {  	_ =	swait.ge [sflag:s11], $0x20  }
0x12: {  	[sflag:s11] =	ssyncset.done $0x0  }
0x13: {  	[sflag:s11] =	ssyncadd.s32 $0xFFFFFFE0  }
.LBB2_1:
0x14: {  	[tilespmem:s10], [sflag:$0x3] =	stream.linear.gather [hbm4b:s6+s2], $0x20, $0x38;
	[tilespmem:$0x1D800] =	vst v63  }
0x15: {  	_ =	swait.ge [sflag:s11], $0x20  }
.Ltmp2:
0x16: {  	[sflag:s11] =	ssyncset.done $0x0;
	(pc) =	sbr.rel .LBB2_2-.Ltmp2, $4  }
0x17: {  	[sflag:s11] =	ssyncadd.s32 $0xFFFFFFE0  }
0x18: {  	[tilespmem:s2], [sflag:$0x1] =	stream.linear.gather [hbm4b:s5+s2], $0xC350, $0x38;
	[tilespmem:$0x1D800] =	vst v63  }
0x19: {  	s18 =	simm.s32 $0x0  }
0x1a: {  	v3 =	vimm.f32 $0.0e+00;
	v4 =	vimm.f32 $0.0e+00;
	[tilespmem:s12], [sflag:$0x2] =	stream.linear.gather [hbm4b:s7+s2], $0xC350, $0x38;
	[tilespmem:$0x1D800] =	vst v63  }
.LBB2_18:
0x1b: {  	v5 =	vimm.f32 $0.0e+00;
	v6 =	vimm.f32 $0.0e+00  }
.LBB2_22:
0x1c: {  	(xrf2) =	vadd.scan.msk.f32 $0xffff, v5  }
0x1d: {  	(xrf2) =	vadd.scan.msk.f32 $0xffff, v6;
	_ =	sdelay $0x8  }
0x1e: {  	v3, _, _ =	vpop (xrf2)  }
0x1f: {  	(v2sf) =	vpush v3, $0xF;
	v3, _, _ =	vpop (xrf2)  }
0x20: {  	(v2sf) =	vpush v3, $0xF;
	_ =	sdelay $0x8  }
0x21: {  	s23 =	sadd.f32 s21, s21  }
0x22: {  	s25 =	smul.f32 $1.000000000e+05, s21  }
0x23: {  	s22 =	smul.f32 s22, s23;
	_ =	sdelay $0x1  }
0x24: {  	s26 =	smul.f32 s25, s21;
	s20 =	ssub.f32 s20, s22  }
0x25: {  	s29 =	ssub.f32 s24, s21;
	s28 =	spop (v2sf)  }
0x26: {  	s20 =	sadd.f32 s20, s26;
	s30 =	spop (v2sf)  }
0x27: {  	s21 =	smul.f32 s29, s29;
	s31 =	ssub.f32 $1.000000000e+05, s30  }
0x28: {  	_ = 	snop  }
0x29: {  	s20 =	ssub.f32 s20, s28;
	s21 =	smul.f32 s31, s21  }
0x2a: {  	_ = 	snop  }
0x2b: {  	s20 =	ssub.f32 s20, s21;
	_ =	sdelay $0x1  }
0x2c: {  	s20 =	sadd.f32 $1.000000000e+00, s20;
	_ =	sdelay $0x1  }
0x2d: {  	s20 =	smul.f32 $5.000000000e-01, s20;
	_ =	sdelay $0x1  }
0x2e: {  	s19 =	ssub.f32 s20, s19;
	_ =	sdelay $0x1  }
0x2f: {  	v3 =	vmov s19  }
0x30: {  	s18 =	sadd.s32 $0x1, s18;
	v5 =	vnsel vm0, $0x0, v3  }
0x31: {  	p0 =	sne.s32 s18, $0x20;
	v4 =	vadd.f32 v5, v4;
	v5 =	vld [tilespmem:$0x1FFF0]  }
.Ltmp3:
0x32: {  	_ = 	snop;
	(pc) =	sbr.rel @!p0 .LBB2_23-.Ltmp3, $3  }
0x33: {  	_ =	sdelay $0x1  }
0x34: {  	v3 =	vnsel vm1, $0x0, v3  }
0x35: {  	v3 =	vadd.f32 v3, v5  }
.LBB2_2:
0x36: {  	v5 =	vld [tilespmem:$0x1D700];
	_ =	sdelay $0x1  }
0x37: {  	v6 =	vld [tilespmem:$0x1D710];
	_ =	sdelay $0x2  }
0x38: {  	v7 =	vmov s18;
	v5 =	vcvt.s32.f32 v5  }
0x39: {  	s19 =	sadd.s32 $0xFFFFFFF0, s18;
	vm0 =	veq.s32 v7, v0  }
0x3a: {  	v7 =	vmov s19;
	v6 =	vcvt.s32.f32 v6;
	v5 =	vnsel vm0, $0x0, v5  }
0x3b: {  	vm1 =	veq.s32 v7, v0;
	(xrf2) =	vadd.scan.msk.f32 $0xffff, v5  }
0x3c: {  	v5 =	vnsel vm1, $0x0, v6  }
0x3d: {  	(xrf2) =	vadd.scan.msk.f32 $0xffff, v5;
	_ =	sdelay $0x7  }
0x3e: {  	v5, _, _ =	vpop (xrf2)  }
0x3f: {  	(v2sf) =	vpush v5, $0xF  }
0x40: {  	v5, _, _ =	vpop (xrf2)  }
0x41: {  	(v2sf) =	vpush v5, $0xF;
	_ =	sdelay $0xc  }
0x42: {  	s30 =	spop (v2sf)  }
0x43: {  	s19 =	sadd.f32 $0.0e+00, s30  }
0x44: {  	s20 =	spop (v2sf)  }
0x45: {  	s19 =	sadd.f32 s20, s19;
	_ =	sdelay $0x1  }
0x46: {  	[smem:$0x0] =	sst s2;
	[tilespmem:$0x1FFF0] =	vst v3;
	s19 =	scvt.f32.s32 s19  }
0x47: {  	_ =	swait.ge [sflag:s13], $0xC350  }
0x48: {  	[sflag:s13] =	ssyncset.done $0x0;
	p0 =	sgt.u32 s19, $0xC34F  }
0x49: {  	[sflag:s13] =	ssyncadd.s32 $0xFFFF3CB0;
	s20 =	sand.u32 @!p0 $0xFFF0, s19  }
0x4a: {  	v6 =	vld @!p0 [tilespmem:s20+$0x0];
	_ =	sdelay $0x1  }
0x4b: {  	s22 =	simm.s32 $0xC0;
	s21 =	sand.u32 @!p0 $0xF, s19  }
0x4c: {  	v7 =	vld [tilespmem:s22+$0xB0];
	v9 =	vlaneseq.u32 @!p0;
	v8 =	vmov @!p0 s21  }
0x4d: {  	v10 =	vld [tilespmem:s22+$0xA0];
	vm2 =	veq.s32 @!p0 v8, v9  }
0x4e: {  	v11 =	vld [tilespmem:s22+$0x70];
	v6 =	vnsel @!p0 vm2, $0x0, v6  }
0x4f: {  	v12 =	vld [tilespmem:s22+$0x90];
	(xrf2) =	vadd.scan.msk.f32 @!p0 $0xffff, v6  }
0x50: {  	v16 =	vld [tilespmem:s22+$0x10]  }
0x51: {  	v14 =	vld [tilespmem:s22+$0x20]  }
0x52: {  	v19 =	vld [tilespmem:s22+$0x30]  }
0x53: {  	v38 =	vld [tilespmem:s22+$0xFFFFFFD0]  }
0x54: {  	v18 =	vld [tilespmem:s22+$0xFFFFFFE0]  }
0x55: {  	v20 =	vld [tilespmem:s22+$0xFFFFFFF0]  }
0x56: {  	v21 =	vld [tilespmem:s22+$0x0]  }
0x57: {  	v39 =	vld [tilespmem:s22+$0xFFFFFF90]  }
0x58: {  	v41 =	vld [tilespmem:s22+$0xFFFFFF50]  }
0x59: {  	v26 =	vld [tilespmem:s22+$0xFFFFFF80];
	v13, _, _ =	vpop @!p0 (xrf2)  }
0x5a: {  	v36 =	vld [tilespmem:s22+$0xFFFFFF60];
	v35 =	vmul.f32 v12, v12;
	(v2sf) =	vpush @!p0 v13, $0xF  }
0x5b: {  	v37 =	vld [tilespmem:s22+$0xFFFFFF40];
	v33 =	vmul.f32 v10, v10;
	v15 =	vmul.f32 v7, v7  }
0x5c: {  	v24 =	vimm.f32 $-3.000000010e+38;
	v45 =	vld [tilespmem:s22+$0xFFFFFFA0];
	v25 =	vmul.f32 v11, v11;
	v52 =	vmul.f32 v16, v16  }
0x5d: {  	v28 =	vimm.f32 $0.0e+00;
	v29 =	vld [tilespmem:s22+$0xFFFFFFB0];
	v55 =	vmul.f32 v14, v14;
	v30 =	vmul.f32 v19, v19  }
0x5e: {  	v34 =	vld [tilespmem:s22+$0xFFFFFF70];
	v51 =	vmax.f32 v21, v16;
	v56 =	vmul.f32 v38, v38;
	v60 =	vmul.f32 v18, v18  }
0x5f: {  	s31 =	simm.s32 $0x0;
	v8 =	vld [tilespmem:s22+$0x60];
	v50 =	vmax.f32 v26, v39;
	v31 =	vmul.f32 v20, v20;
	v42 =	vmul.f32 v41, v41  }
0x60: {  	s20 =	sand.u32 $0xFFF0, s31;
	v9 =	vld [tilespmem:s22+$0x80];
	v32 =	vmul.f32 v21, v21;
	v46 =	vmax.f32 v37, v41;
	v44 =	vmul.f32 v36, v36  }
0x61: {  	v17 =	vld [tilespmem:s20+$0x100];
	v48 =	vmul.f32 v39, v39;
	v41 =	vadd.f32 v41, v28;
	v58 =	vadd.f32 v36, v28  }
0x62: {  	v23 =	vld [tilespmem:s20+$0x80];
	v57 =	vmul.f32 v45, v45;
	v42 =	vadd.f32 v42, v28;
	v59 =	vadd.f32 v44, v28  }
0x63: {  	v49 =	vmul.f32 v34, v34;
	v39 =	vadd.f32 v39, v41;
	v61 =	vadd.f32 v45, v58  }
0x64: {  	v5 =	vld [tilespmem:s20+$0x180];
	v44 =	vmul.f32 v29, v29;
	v41 =	vadd.f32 v48, v42;
	v62 =	vadd.f32 v57, v59  }
0x65: {  	v48 =	vmul.f32 v26, v26;
	v57 =	vadd.f32 v38, v39;
	v59 =	vadd.f32 v18, v61;
	v6 =	vld [tilespmem:s22+$0x50]  }
0x66: {  	v39 =	vimm.f32 $0.0e+00;
	v40 =	vmul.f32 v8, v8;
	v22 =	vmul.f32 v9, v9  }
0x67: {  	v53 =	vmax.f32 v9, v12;
	v27 =	vmul.f32 v17, v17;
	v47 =	vmax.f32 v23, v38  }
0x68: {  	v42 =	vmul.f32 v23, v23;
	v38 =	vimm.f32 $0.0e+00;
	v58 =	vadd.f32 v56, v41  }
0x69: {  	s23 =	simm.s32 $0x190;
	v56 =	vmul.f32 v37, v37;
	v60 =	vadd.f32 v60, v62;
	v41 =	vimm.f32 $0.0e+00;
	s21 =	spop @!p0 (v2sf)  }
0x6a: {  	s20 =	sadd.s32 s4, s18;
	v43 =	vmul.f32 v6, v6;
	v54 =	vmax.f32 v17, v6;
	v13 =	vmul.f32 v5, v5;
	[smem:$0x0] =	sst @!p0 s21;
	s21 =	simm.f32 @p0 $0.0e+00  }
.LBB2_3:
0x6b: {  	p0 =	sne.s32 s23, $0xC1C0;
	v16 =	vadd.f32 v16, v57;
	v52 =	vadd.f32 v52, v58;
	v53 =	vmax.f32 v53, v10  }
0x6c: {  	s22 =	sadd.s32 $0x190, s22;
	v57 =	vadd.f32 v14, v59;
	v55 =	vadd.f32 v55, v60;
	v14 =	vmax.f32 v51, v14  }
0x6d: {  	v51 =	vld [tilespmem:s22+$0xB0];
	v6 =	vadd.f32 v6, v16;
	v16 =	vadd.f32 v43, v52;
	v43 =	vmax.f32 v54, v8  }
0x6e: {  	s24 =	sand.u32 $0xFFF0, s23;
	v45 =	vmax.f32 v50, v45;
	v52 =	vld [tilespmem:s22+$0xA0];
	v50 =	vadd.f32 v8, v57;
	v40 =	vadd.f32 v40, v55  }
0x6f: {  	v18 =	vmax.f32 v47, v18;
	v54 =	vld [tilespmem:s24+$0x180];
	v57 =	vadd.f32 v12, v6;
	v58 =	vadd.f32 v35, v16  }
0x70: {  	v35 =	vmax.f32 v46, v36;
	v8 =	vld [tilespmem:s22+$0x60];
	v59 =	vadd.f32 v10, v50;
	v60 =	vadd.f32 v33, v40  }
0x71: {  	v3 =	vadd.f32 v56, v41;
	v6 =	vadd.f32 v37, v28;
	v28 =	vmax.f32 v53, v7;
	v46 =	vld [tilespmem:s22+$0x70]  }
0x72: {  	v16 =	vadd.f32 v34, v38;
	v36 =	vmax.f32 v14, v19;
	v33 =	vadd.f32 v49, v39;
	v47 =	vld [tilespmem:s22+$0x80]  }
0x73: {  	v37 =	vmax.f32 v43, v11;
	v14 =	vadd.f32 v26, v6;
	v26 =	vadd.f32 v48, v3;
	v12 =	vld [tilespmem:s22+$0x90];
	v10 =	vmovc v52  }
0x74: {  	v38 =	vadd.f32 v29, v16;
	v29 =	vmax.f32 v45, v29;
	v33 =	vadd.f32 v44, v33;
	v6 =	vld [tilespmem:s22+$0x50]  }
0x75: {  	v18 =	vmax.f32 v18, v20;
	v23 =	vadd.f32 v23, v14;
	v26 =	vadd.f32 v42, v26;
	v16 =	vld [tilespmem:s22+$0x10]  }
0x76: {  	v34 =	vmax.f32 v35, v34;
	v20 =	vadd.f32 v20, v38;
	v31 =	vadd.f32 v31, v33;
	v14 =	vld [tilespmem:s22+$0x20]  }
0x77: {  	v24 =	vmax.f32 v24, v34;
	v21 =	vadd.f32 v21, v23;
	v23 =	vadd.f32 v32, v26;
	v42 =	vld [tilespmem:s22+$0x30]  }
0x78: {  	v24 =	vmax.f32 v24, v29;
	v19 =	vadd.f32 v19, v20;
	v20 =	vadd.f32 v30, v31;
	v32 =	vld [tilespmem:s24+$0x100]  }
0x79: {  	v17 =	vadd.f32 v17, v21;
	v21 =	vadd.f32 v27, v23;
	v23 =	vmax.f32 v24, v18;
	v56 =	vld [tilespmem:s22+$0xFFFFFFD0]  }
0x7a: {  	v19 =	vadd.f32 v11, v19;
	v11 =	vmovc v46;
	v24 =	vadd.f32 v25, v20;
	v23 =	vmax.f32 v23, v36;
	v18 =	vld [tilespmem:s22+$0xFFFFFFE0]  }
0x7b: {  	v3 =	vadd.f32 v9, v17;
	v22 =	vadd.f32 v22, v21;
	v23 =	vmax.f32 v23, v37;
	v9 =	vmovc v47;
	v20 =	vld [tilespmem:s22+$0xFFFFFFF0]  }
0x7c: {  	v38 =	vadd.f32 v7, v19;
	v7 =	vmovc v51;
	v39 =	vadd.f32 v15, v24;
	v15 =	vmax.f32 v23, v28;
	v21 =	vld [tilespmem:s22+$0x0]  }
0x7d: {  	v28 =	vadd.f32 v5, v3;
	v41 =	vadd.f32 v13, v22;
	v24 =	vmax.f32 v15, v5;
	v5 =	vmovc v54;
	v48 =	vld [tilespmem:s22+$0xFFFFFF90]  }
0x7e: {  	v35 =	vmul.f32 v12, v12;
	v19 =	vmov v42;
	v17 =	vmov v32;
	v23 =	vld [tilespmem:s24+$0x80]  }
0x7f: {  	v33 =	vmul.f32 v52, v10;
	v15 =	vmul.f32 v51, v7;
	v44 =	vld [tilespmem:s22+$0xFFFFFF50]  }
0x80: {  	v43 =	vmul.f32 v6, v6;
	v13 =	vmul.f32 v54, v5;
	v26 =	vld [tilespmem:s22+$0xFFFFFF80]  }
0x81: {  	v40 =	vmul.f32 v8, v8;
	v25 =	vmul.f32 v46, v11;
	v36 =	vld [tilespmem:s22+$0xFFFFFF60]  }
0x82: {  	v52 =	vmul.f32 v16, v16;
	v53 =	vmax.f32 v9, v12;
	v22 =	vmul.f32 v47, v9;
	v37 =	vld [tilespmem:s22+$0xFFFFFF40]  }
0x83: {  	v55 =	vmul.f32 v14, v14;
	v30 =	vmul.f32 v42, v19;
	v51 =	vmax.f32 v21, v16;
	v45 =	vld [tilespmem:s22+$0xFFFFFFA0]  }
0x84: {  	v61 =	vmul.f32 v56, v56;
	v27 =	vmul.f32 v32, v17;
	v54 =	vmax.f32 v17, v6;
	v29 =	vld [tilespmem:s22+$0xFFFFFFB0]  }
0x85: {  	v62 =	vmul.f32 v18, v18;
	v31 =	vmul.f32 v20, v20;
	v50 =	vmax.f32 v26, v48  }
0x86: {  	v32 =	vmul.f32 v21, v21;
	v47 =	vmax.f32 v23, v56;
	v42 =	vmul.f32 v44, v44;
	v34 =	vld [tilespmem:s22+$0xFFFFFF70]  }
0x87: {  	v63 =	vmul.f32 v48, v48;
	v49 =	vmul.f32 v36, v36;
	v46 =	vmax.f32 v37, v44  }
0x88: {  	v57 =	vadd.f32 v44, v57;
	v42 =	vadd.f32 v42, v58;
	v58 =	vmul.f32 v45, v45  }
.Ltmp4:
0x89: {  	v59 =	vadd.f32 v36, v59;
	v60 =	vadd.f32 v49, v60;
	v44 =	vmul.f32 v29, v29;
	(pc) =	sbr.rel @p0 .LBB2_3-.Ltmp4, $4  }
0x8a: {  	v57 =	vadd.f32 v48, v57;
	v63 =	vadd.f32 v63, v42;
	v42 =	vmul.f32 v23, v23  }
0x8b: {  	v59 =	vadd.f32 v45, v59;
	v60 =	vadd.f32 v58, v60;
	v49 =	vmul.f32 v34, v34  }
0x8c: {  	v48 =	vmul.f32 v26, v26;
	v57 =	vadd.f32 v56, v57;
	v58 =	vadd.f32 v61, v63  }
0x8d: {  	s23 =	sadd.s32 $0x190, s23;
	v56 =	vmul.f32 v37, v37;
	v59 =	vadd.f32 v18, v59;
	v60 =	vadd.f32 v62, v60  }
0x8e: {  	s22 =	sadd.s32 $0xFFFF3CB0, s19  }
0x8f: {  	p0 =	sgt.u32 s22, $0xC34F  }
0x90: {  	s23 =	sand.u32 @!p0 $0xF, s19  }
0x91: {  	p1 =	slt.u32 @!p0 s19, $0xC351;
	p2 =	sne.s32 @!p0 s23, $0x0  }
0x92: {  	p1 =	por @!p0 !p1, !p2  }
0x93: {  	p1 =	por @!p0 !p1, !p1  }
0x94: {  	s19 =	simm.s32 @!p0 $0xFFFFFFFF;
	p1 =	por !p1, p0  }
0x95: {  	s19 =	simm.s32 @p1 $0x0  }
0x96: {  	_ =	swait.ge [sflag:s14], $0xC350;
	s19 =	sshll.u32 @!p0 s19, $0x4  }
0x97: {  	v16 =	vadd.f32 v16, v57;
	v52 =	vadd.f32 v52, v58;
	[sflag:s14] =	ssyncset.done $0x0;
	s19 =	sadd.s32 @!p0 s19, s22  }
0x98: {  	v51 =	vmax.f32 v51, v14;
	v28 =	vadd.f32 v37, v28;
	v38 =	vadd.f32 v34, v38;
	[sflag:s14] =	ssyncadd.s32 $0xFFFF3CB0;
	s19 =	sand.u32 @!p0 $0xFFFFFFF0, s19  }
0x99: {  	v63 =	vmax.f32 v54, v8;
	v39 =	vadd.f32 v49, v39;
	v62 =	vadd.f32 v14, v59;
	v57 =	vld @!p0 [tilespmem:s19+$0xC380]  }
0x9a: {  	v45 =	vmax.f32 v50, v45;
	v55 =	vadd.f32 v55, v60;
	v16 =	vadd.f32 v6, v16;
	s22 =	simm.s32 $0xC440  }
0x9b: {  	v54 =	vlaneseq.u32 @!p0;
	v61 =	vadd.f32 v26, v28;
	v38 =	vadd.f32 v29, v38;
	v6 =	vld [tilespmem:s22+$0xB0]  }
0x9c: {  	v39 =	vadd.f32 v44, v39;
	v50 =	vmov @!p0 s23;
	v58 =	vadd.f32 v8, v62;
	v14 =	vld [tilespmem:s22+$0xA0]  }
0x9d: {  	vm2 =	veq.s32 @!p0 v50, v54;
	v59 =	vadd.f32 v12, v16;
	v50 =	vadd.f32 v56, v41;
	v16 =	vld [tilespmem:s22+$0x60]  }
0x9e: {  	v54 =	vmax.f32 v47, v18;
	v41 =	vadd.f32 v23, v61;
	v18 =	vld [tilespmem:s22+$0x90];
	v12 =	vnsel @!p0 vm2, $0x0, v57  }
0x9f: {  	v40 =	vadd.f32 v40, v55;
	v55 =	vmax.f32 v46, v36;
	v36 =	vadd.f32 v48, v50;
	v26 =	vld [tilespmem:s22+$0x50];
	(xrf2) =	vadd.scan.msk.f32 @!p0 $0xffff, v12  }
0xa0: {  	v62 =	vmax.f32 v63, v11;
	v38 =	vadd.f32 v20, v38;
	v21 =	vadd.f32 v21, v41;
	v28 =	vld [tilespmem:s22+$0x10]  }
0xa1: {  	v63 =	vmax.f32 v45, v29;
	v31 =	vadd.f32 v31, v39;
	v36 =	vadd.f32 v42, v36;
	v29 =	vld [tilespmem:s22+$0x20]  }
0xa2: {  	v60 =	vmax.f32 v51, v19;
	v19 =	vadd.f32 v19, v38;
	v17 =	vadd.f32 v17, v21;
	v56 =	vld [tilespmem:s22+$0xFFFFFFD0]  }
0xa3: {  	v30 =	vadd.f32 v30, v31;
	v32 =	vadd.f32 v32, v36;
	v31 =	vld [tilespmem:s22+$0xFFFFFFE0]  }
0xa4: {  	v43 =	vadd.f32 v43, v52;
	v9 =	vadd.f32 v9, v17;
	v17 =	vld [tilespmem:s22+$0x0]  }
0xa5: {  	v53 =	vmax.f32 v53, v10;
	v19 =	vadd.f32 v11, v19;
	v49 =	vld [tilespmem:s22+$0xFFFFFF50];
	v21 =	vadd.f32 v27, v32  }
0xa6: {  	v53 =	vmax.f32 v53, v7;
	v43 =	vadd.f32 v35, v43;
	v25 =	vadd.f32 v25, v30;
	v11 =	vld [tilespmem:s22+$0xFFFFFFF0]  }
0xa7: {  	v35 =	vmax.f32 v54, v20;
	v44 =	vld [tilespmem:s22+$0xFFFFFF90];
	v30 =	vadd.f32 v22, v21;
	v21 =	vadd.f32 v7, v19  }
0xa8: {  	s31 =	simm.s32 $0x0;
	v38 =	vld [tilespmem:s22+$0xFFFFFF40];
	v22 =	vadd.f32 v15, v25;
	v7 =	vmul.f32 v6, v6;
	v41 =	vmul.f32 v26, v26  }
0xa9: {  	v48 =	vld [tilespmem:s22+$0xFFFFFFA0];
	s19 =	sand.u32 $0xFFF0, s31;
	v45 =	vmul.f32 v28, v28;
	v50 =	vmax.f32 v17, v28;
	v46 =	vmul.f32 v29, v29;
	v27, _, _ =	vpop @!p0 (xrf2)  }
0xaa: {  	v20 =	vld [tilespmem:s19+$0xC480];
	v61 =	vmul.f32 v31, v31;
	v51 =	vmul.f32 v49, v49;
	(v2sf) =	vpush @!p0 v27, $0xF  }
0xab: {  	v36 =	vld [tilespmem:s22+$0xFFFFFFB0];
	v37 =	vmul.f32 v17, v17;
	v57 =	vadd.f32 v10, v58;
	v58 =	vadd.f32 v33, v40  }
0xac: {  	v42 =	vld [tilespmem:s22+$0xFFFFFF60];
	v33 =	vmax.f32 v55, v34;
	v34 =	vmul.f32 v14, v14;
	v30 =	vadd.f32 v13, v30  }
0xad: {  	v19 =	vld [tilespmem:s19+$0xC400];
	v40 =	vmul.f32 v16, v16;
	v55 =	vmax.f32 v38, v49;
	v49 =	vadd.f32 v49, v59  }
0xae: {  	v59 =	vmul.f32 v48, v48;
	v24 =	vmax.f32 v24, v33;
	v33 =	vmul.f32 v18, v18  }
0xaf: {  	v32 =	vld [tilespmem:s22+$0xFFFFFF80];
	v25 =	vmul.f32 v20, v20;
	v52 =	vmax.f32 v20, v26;
	v51 =	vadd.f32 v51, v43  }
0xb0: {  	v12 =	vld [tilespmem:s22+$0x80];
	v43 =	vmul.f32 v36, v36;
	v24 =	vmax.f32 v24, v63;
	v63 =	vmul.f32 v44, v44  }
0xb1: {  	v23 =	vld [tilespmem:s22+$0x30];
	v57 =	vadd.f32 v42, v57;
	v24 =	vmax.f32 v24, v35;
	v35 =	vmul.f32 v11, v11  }
0xb2: {  	v54 =	vmax.f32 v19, v56;
	v24 =	vmax.f32 v24, v60;
	v60 =	vmul.f32 v56, v56  }
0xb3: {  	v39 =	vld [tilespmem:s22+$0xFFFFFF70];
	v63 =	vadd.f32 v63, v51;
	v24 =	vmax.f32 v24, v62;
	v62 =	vmul.f32 v42, v42  }
0xb4: {  	v8 =	vld [tilespmem:s19+$0xC500];
	v3 =	vadd.f32 v48, v57;
	v51 =	vmul.f32 v32, v32;
	v15 =	vmax.f32 v24, v53  }
0xb5: {  	v10 =	vld [tilespmem:s22+$0x70];
	v13 =	vmul.f32 v12, v12;
	v58 =	vadd.f32 v62, v58;
	v62 =	vadd.f32 v44, v49  }
0xb6: {  	v47 =	vmax.f32 v12, v18;
	v24 =	vmul.f32 v23, v23;
	v53 =	vmax.f32 v32, v44  }
0xb7: {  	v44 =	vmul.f32 v19, v19;
	v59 =	vadd.f32 v59, v58;
	v57 =	vadd.f32 v56, v62  }
0xb8: {  	v49 =	vmul.f32 v39, v39;
	v58 =	vadd.f32 v60, v63;
	v60 =	vadd.f32 v31, v3  }
0xb9: {  	v56 =	vmul.f32 v38, v38;
	v59 =	vadd.f32 v61, v59;
	v27 =	vadd.f32 v5, v9;
	s19 =	spop @!p0 (v2sf)  }
0xba: {  	v9 =	vmul.f32 v8, v8;
	v5 =	vmax.f32 v15, v5;
	v15 =	vmul.f32 v10, v10;
	[smem:$0x0] =	sst @!p0 s19;
	s19 =	smov.u32 @p0 s21;
	s21 =	simm.s32 $0x190  }
.LBB2_5:
0xbb: {  	p0 =	sne.s32 s21, $0xC1C0;
	v3 =	vadd.f32 v28, v57;
	v28 =	vadd.f32 v45, v58;
	v45 =	vmax.f32 v47, v14  }
0xbc: {  	s22 =	sadd.s32 $0x190, s22;
	v47 =	vadd.f32 v29, v60;
	v46 =	vadd.f32 v46, v59;
	v29 =	vmax.f32 v50, v29  }
0xbd: {  	v50 =	vld [tilespmem:s22+$0xB0];
	v3 =	vadd.f32 v26, v3;
	v26 =	vadd.f32 v41, v28;
	v28 =	vmax.f32 v52, v16  }
0xbe: {  	s23 =	sand.u32 $0xFFF0, s21;
	v48 =	vmax.f32 v53, v48;
	v41 =	vld [tilespmem:s22+$0xA0];
	v47 =	vadd.f32 v16, v47;
	v40 =	vadd.f32 v40, v46  }
0xbf: {  	v31 =	vmax.f32 v54, v31;
	v46 =	vld [tilespmem:s23+$0xC500];
	v3 =	vadd.f32 v18, v3;
	v57 =	vadd.f32 v33, v26  }
0xc0: {  	v33 =	vmax.f32 v55, v42;
	v16 =	vld [tilespmem:s22+$0x60];
	v58 =	vadd.f32 v14, v47;
	v59 =	vadd.f32 v34, v40  }
0xc1: {  	v38 =	vadd.f32 v38, v27;
	v27 =	vmax.f32 v45, v6;
	v26 =	vadd.f32 v56, v30;
	v47 =	vld [tilespmem:s22+$0x70]  }
0xc2: {  	v21 =	vadd.f32 v39, v21;
	v22 =	vadd.f32 v49, v22;
	v30 =	vmax.f32 v29, v23;
	v52 =	vld [tilespmem:s22+$0x80]  }
0xc3: {  	v29 =	vadd.f32 v32, v38;
	v34 =	vmax.f32 v28, v10;
	v32 =	vadd.f32 v51, v26;
	v18 =	vld [tilespmem:s22+$0x90];
	v14 =	vmovc v41  }
0xc4: {  	v21 =	vadd.f32 v36, v21;
	v22 =	vadd.f32 v43, v22;
	v36 =	vmax.f32 v48, v36;
	v26 =	vld [tilespmem:s22+$0x50]  }
0xc5: {  	v31 =	vmax.f32 v31, v11;
	v19 =	vadd.f32 v19, v29;
	v32 =	vadd.f32 v44, v32;
	v28 =	vld [tilespmem:s22+$0x10]  }
0xc6: {  	v11 =	vadd.f32 v11, v21;
	v21 =	vadd.f32 v35, v22;
	v33 =	vmax.f32 v33, v39;
	v29 =	vld [tilespmem:s22+$0x20]  }
0xc7: {  	v5 =	vmax.f32 v5, v33;
	v17 =	vadd.f32 v17, v19;
	v19 =	vadd.f32 v37, v32;
	v35 =	vld [tilespmem:s22+$0x30]  }
0xc8: {  	v11 =	vadd.f32 v23, v11;
	v21 =	vadd.f32 v24, v21;
	v5 =	vmax.f32 v5, v36;
	v37 =	vld [tilespmem:s23+$0xC480]  }
0xc9: {  	v5 =	vmax.f32 v5, v31;
	v17 =	vadd.f32 v20, v17;
	v19 =	vadd.f32 v25, v19;
	v56 =	vld [tilespmem:s22+$0xFFFFFFD0]  }
0xca: {  	v15 =	vadd.f32 v15, v21;
	v5 =	vmax.f32 v5, v30;
	v20 =	vadd.f32 v10, v11;
	v10 =	vmovc v47;
	v31 =	vld [tilespmem:s22+$0xFFFFFFE0]  }
0xcb: {  	v5 =	vmax.f32 v5, v34;
	v24 =	vadd.f32 v12, v17;
	v12 =	vmovc v52;
	v13 =	vadd.f32 v13, v19;
	v11 =	vld [tilespmem:s22+$0xFFFFFFF0]  }
0xcc: {  	v22 =	vadd.f32 v7, v15;
	v5 =	vmax.f32 v5, v27;
	v21 =	vadd.f32 v6, v20;
	v6 =	vmovc v50;
	v17 =	vld [tilespmem:s22+$0x0]  }
0xcd: {  	v5 =	vmax.f32 v5, v8;
	v27 =	vadd.f32 v8, v24;
	v8 =	vmovc v46;
	v30 =	vadd.f32 v9, v13;
	v44 =	vld [tilespmem:s22+$0xFFFFFF90]  }
0xce: {  	v33 =	vmul.f32 v18, v18;
	v23 =	vmov v35;
	v20 =	vmov v37;
	v19 =	vld [tilespmem:s23+$0xC400]  }
0xcf: {  	v34 =	vmul.f32 v41, v14;
	v7 =	vmul.f32 v50, v6;
	v43 =	vld [tilespmem:s22+$0xFFFFFF50]  }
0xd0: {  	v41 =	vmul.f32 v26, v26;
	v9 =	vmul.f32 v46, v8;
	v32 =	vld [tilespmem:s22+$0xFFFFFF80]  }
0xd1: {  	v40 =	vmul.f32 v16, v16;
	v15 =	vmul.f32 v47, v10;
	v42 =	vld [tilespmem:s22+$0xFFFFFF60]  }
0xd2: {  	v47 =	vmax.f32 v12, v18;
	v45 =	vmul.f32 v28, v28;
	v13 =	vmul.f32 v52, v12;
	v38 =	vld [tilespmem:s22+$0xFFFFFF40]  }
0xd3: {  	v46 =	vmul.f32 v29, v29;
	v24 =	vmul.f32 v35, v23;
	v50 =	vmax.f32 v17, v28;
	v48 =	vld [tilespmem:s22+$0xFFFFFFA0]  }
0xd4: {  	v60 =	vmul.f32 v56, v56;
	v25 =	vmul.f32 v37, v20;
	v52 =	vmax.f32 v20, v26;
	v36 =	vld [tilespmem:s22+$0xFFFFFFB0]  }
0xd5: {  	v61 =	vmul.f32 v31, v31;
	v35 =	vmul.f32 v11, v11;
	v53 =	vmax.f32 v32, v44  }
0xd6: {  	v37 =	vmul.f32 v17, v17;
	v54 =	vmax.f32 v19, v56;
	v49 =	vmul.f32 v43, v43;
	v39 =	vld [tilespmem:s22+$0xFFFFFF70]  }
0xd7: {  	v62 =	vmul.f32 v44, v44;
	v51 =	vmul.f32 v42, v42;
	v55 =	vmax.f32 v38, v43  }
0xd8: {  	v3 =	vadd.f32 v43, v3;
	v49 =	vadd.f32 v49, v57;
	v57 =	vmul.f32 v48, v48  }
.Ltmp5:
0xd9: {  	v58 =	vadd.f32 v42, v58;
	v51 =	vadd.f32 v51, v59;
	v43 =	vmul.f32 v36, v36;
	(pc) =	sbr.rel @p0 .LBB2_5-.Ltmp5, $4  }
0xda: {  	v3 =	vadd.f32 v44, v3;
	v44 =	vmul.f32 v19, v19;
	v59 =	vadd.f32 v62, v49  }
0xdb: {  	v62 =	vadd.f32 v48, v58;
	v63 =	vadd.f32 v57, v51;
	v49 =	vmul.f32 v39, v39  }
0xdc: {  	v51 =	vmul.f32 v32, v32;
	v57 =	vadd.f32 v56, v3;
	v58 =	vadd.f32 v60, v59  }
0xdd: {  	s21 =	sadd.s32 $0x190, s21;
	v56 =	vmul.f32 v38, v38;
	v60 =	vadd.f32 v31, v62;
	v59 =	vadd.f32 v61, v63  }
0xde: {  	v3 =	vmax.f32 v55, v42  }
0xdf: {  	v53 =	vmax.f32 v53, v48;
	v3 =	vmax.f32 v3, v39  }
0xe0: {  	v31 =	vmax.f32 v54, v31;
	v42 =	vmax.f32 v53, v36;
	v3 =	vmax.f32 v5, v3  }
0xe1: {  	v31 =	vmax.f32 v31, v11;
	v5 =	vmax.f32 v50, v29;
	v3 =	vmax.f32 v3, v42  }
0xe2: {  	v54 =	vmax.f32 v52, v16;
	v5 =	vmax.f32 v5, v23;
	v3 =	vmax.f32 v3, v31  }
0xe3: {  	v55 =	vmax.f32 v47, v14;
	v42 =	vmax.f32 v54, v10;
	v3 =	vmax.f32 v3, v5  }
0xe4: {  	v5 =	vmax.f32 v55, v6;
	v3 =	vmax.f32 v3, v42  }
0xe5: {  	v3 =	vmax.f32 v3, v5  }
0xe6: {  	v3 =	vmax.f32 v3, v8  }
0xe7: {  	(xrf0) =	vmax.scan.msk.f32 $0xffff, v3;
	_ =	sdelay $0x3  }
0xe8: {  	v21 =	vadd.f32 v39, v21;
	_ =	sdelay $0x1  }
0xe9: {  	v21 =	vadd.f32 v36, v21;
	v5, _, _ =	vpop (xrf0)  }
0xea: {  	v22 =	vadd.f32 v49, v22;
	(v2sf) =	vpush v5, $0xF  }
0xeb: {  	v11 =	vadd.f32 v11, v21;
	v3 =	vadd.f32 v28, v57  }
0xec: {  	v57 =	vadd.f32 v45, v58;
	v58 =	vadd.f32 v29, v60  }
0xed: {  	v22 =	vadd.f32 v43, v22;
	v3 =	vadd.f32 v26, v3  }
0xee: {  	v11 =	vadd.f32 v23, v11;
	v61 =	vadd.f32 v16, v58  }
0xef: {  	v16 =	vadd.f32 v18, v3;
	v3 =	vadd.f32 v38, v27  }
0xf0: {  	v63 =	vadd.f32 v35, v22;
	v27 =	vadd.f32 v56, v30  }
0xf1: {  	v10 =	vadd.f32 v10, v11;
	v3 =	vadd.f32 v32, v3  }
0xf2: {  	v60 =	vadd.f32 v46, v59;
	v27 =	vadd.f32 v51, v27  }
0xf3: {  	v10 =	vadd.f32 v6, v10;
	v3 =	vadd.f32 v19, v3  }
0xf4: {  	v26 =	vadd.f32 v41, v57;
	v19 =	vadd.f32 v44, v27  }
0xf5: {  	v62 =	vadd.f32 v40, v60;
	v3 =	vadd.f32 v17, v3  }
0xf6: {  	v18 =	vadd.f32 v33, v26;
	v17 =	vadd.f32 v37, v19  }
0xf7: {  	v19 =	vadd.f32 v24, v63;
	v3 =	vadd.f32 v20, v3  }
0xf8: {  	v14 =	vadd.f32 v14, v61;
	v17 =	vadd.f32 v25, v17  }
0xf9: {  	v11 =	vadd.f32 v15, v19;
	v3 =	vadd.f32 v12, v3;
	s21 =	spop (v2sf)  }
0xfa: {  	v26 =	vadd.f32 v34, v62;
	v12 =	vadd.f32 v13, v17;
	s22 =	sadd.f32 $-1.000000000e+00, s21  }
0xfb: {  	v11 =	vadd.f32 v7, v11;
	v8 =	vadd.f32 v8, v3  }
0xfc: {  	s23 =	simm.s32 $0xC0;
	v9 =	vadd.f32 v9, v12;
	v12 =	vimm.s32 $0x0;
	v6 =	vmov s22;
	s22 =	simm.s32 $0x0  }
.LBB2_7:
0xfd: {  	v3 =	vld [tilespmem:s23+$0xFFFFFF40]  }
0xfe: {  	v13 =	vld [tilespmem:s23+$0xFFFFFF50];
	_ =	sdelay $0x1  }
0xff: {  	vm2 =	vlt.s32 v12, $0x4E60  }
0x100: {  	v12 =	vnsel vm2, $0x4E60, v12  }
0x101: {  	v7 =	vor.u32 $0x10, v0;
	v15 =	vadd.s32 v0, v12  }
0x102: {  	v19 =	vadd.s32 v7, v12;
	v17 =	vmax.f32 v3, v13  }
0x103: {  	vm2 =	vge.f32 v17, v6  }
0x104: {  	v17 =	vmpcnt.ones.xlane vm2;
	_ =	sdelay $0x1  }
0x105: {  	[tilespmem:v15+s15+$0x0] =	vst.idx.msk $0xffff, v3;
	vm2 =	vgt.s32 v17, $0x0  }
0x106: {  	[tilespmem:v19+s15+$0x0] =	vst.idx.msk $0xffff, v13;
	v3 =	vsel vm2, $0x20, v1  }
0x107: {  	v13 =	vld [tilespmem:s23+$0xFFFFFF70];
	v3 =	vadd.s32 v12, v3  }
0x108: {  	v12 =	vld [tilespmem:s23+$0xFFFFFF60];
	v15 =	vadd.s32 v0, v3  }
0x109: {  	v17 =	vadd.s32 v7, v3;
	_ =	sdelay $0x3  }
0x10a: {  	v19 =	vmax.f32 v12, v13;
	[tilespmem:v15+s15+$0x0] =	vst.idx.msk $0xffff, v12  }
0x10b: {  	vm2 =	vge.f32 v19, v6;
	[tilespmem:v17+s15+$0x0] =	vst.idx.msk $0xffff, v13  }
0x10c: {  	v12 =	vmpcnt.ones.xlane vm2;
	v13 =	vld [tilespmem:s23+$0xFFFFFF80]  }
0x10d: {  	v15 =	vld [tilespmem:s23+$0xFFFFFF90]  }
0x10e: {  	vm2 =	vgt.s32 v12, $0x0  }
0x10f: {  	v12 =	vsel vm2, $0x20, v1  }
0x110: {  	v3 =	vadd.s32 v3, v12  }
0x111: {  	v12 =	vadd.s32 v0, v3  }
0x112: {  	v19 =	vadd.s32 v7, v3;
	v17 =	vmax.f32 v13, v15  }
0x113: {  	vm2 =	vge.f32 v17, v6  }
0x114: {  	v17 =	vmpcnt.ones.xlane vm2;
	_ =	sdelay $0x1  }
0x115: {  	[tilespmem:v12+s15+$0x0] =	vst.idx.msk $0xffff, v13;
	vm2 =	vgt.s32 v17, $0x0  }
0x116: {  	[tilespmem:v19+s15+$0x0] =	vst.idx.msk $0xffff, v15;
	v12 =	vsel vm2, $0x20, v1  }
0x117: {  	v3 =	vadd.s32 v3, v12;
	v12 =	vld [tilespmem:s23+$0xFFFFFFA0]  }
0x118: {  	v13 =	vld [tilespmem:s23+$0xFFFFFFB0];
	v15 =	vadd.s32 v0, v3  }
0x119: {  	v17 =	vadd.s32 v7, v3;
	_ =	sdelay $0x3  }
0x11a: {  	v19 =	vmax.f32 v12, v13;
	[tilespmem:v15+s15+$0x0] =	vst.idx.msk $0xffff, v12  }
0x11b: {  	s24 =	sand.u32 $0xFFF0, s22;
	vm2 =	vge.f32 v19, v6;
	[tilespmem:v17+s15+$0x0] =	vst.idx.msk $0xffff, v13  }
0x11c: {  	v12 =	vmpcnt.ones.xlane vm2;
	v13 =	vld [tilespmem:s24+$0x80]  }
0x11d: {  	v15 =	vld [tilespmem:s23+$0xFFFFFFD0]  }
0x11e: {  	vm2 =	vgt.s32 v12, $0x0  }
0x11f: {  	v12 =	vsel vm2, $0x20, v1  }
0x120: {  	v3 =	vadd.s32 v3, v12  }
0x121: {  	v12 =	vadd.s32 v0, v3  }
0x122: {  	v19 =	vadd.s32 v7, v3;
	v17 =	vmax.f32 v13, v15  }
0x123: {  	vm2 =	vge.f32 v17, v6  }
0x124: {  	v17 =	vmpcnt.ones.xlane vm2;
	_ =	sdelay $0x1  }
0x125: {  	[tilespmem:v12+s15+$0x0] =	vst.idx.msk $0xffff, v13;
	vm2 =	vgt.s32 v17, $0x0  }
0x126: {  	[tilespmem:v19+s15+$0x0] =	vst.idx.msk $0xffff, v15;
	v12 =	vsel vm2, $0x20, v1  }
0x127: {  	v3 =	vadd.s32 v3, v12;
	v12 =	vld [tilespmem:s23+$0xFFFFFFE0]  }
0x128: {  	v13 =	vld [tilespmem:s23+$0xFFFFFFF0];
	v15 =	vadd.s32 v0, v3  }
0x129: {  	v17 =	vadd.s32 v7, v3;
	_ =	sdelay $0x3  }
0x12a: {  	v19 =	vmax.f32 v12, v13;
	[tilespmem:v15+s15+$0x0] =	vst.idx.msk $0xffff, v12  }
0x12b: {  	vm2 =	vge.f32 v19, v6;
	[tilespmem:v17+s15+$0x0] =	vst.idx.msk $0xffff, v13  }
0x12c: {  	v12 =	vmpcnt.ones.xlane vm2;
	v13 =	vld [tilespmem:s23+$0x0]  }
0x12d: {  	v15 =	vld [tilespmem:s23+$0x10]  }
0x12e: {  	vm2 =	vgt.s32 v12, $0x0  }
0x12f: {  	v12 =	vsel vm2, $0x20, v1  }
0x130: {  	v3 =	vadd.s32 v3, v12  }
0x131: {  	v12 =	vadd.s32 v0, v3  }
0x132: {  	v19 =	vadd.s32 v7, v3;
	v17 =	vmax.f32 v13, v15  }
0x133: {  	vm2 =	vge.f32 v17, v6  }
0x134: {  	v17 =	vmpcnt.ones.xlane vm2;
	_ =	sdelay $0x1  }
0x135: {  	[tilespmem:v12+s15+$0x0] =	vst.idx.msk $0xffff, v13;
	vm2 =	vgt.s32 v17, $0x0  }
0x136: {  	[tilespmem:v19+s15+$0x0] =	vst.idx.msk $0xffff, v15;
	v12 =	vsel vm2, $0x20, v1  }
0x137: {  	v3 =	vadd.s32 v3, v12;
	v12 =	vld [tilespmem:s23+$0x20]  }
0x138: {  	v13 =	vld [tilespmem:s23+$0x30];
	v15 =	vadd.s32 v0, v3  }
0x139: {  	v17 =	vadd.s32 v7, v3;
	_ =	sdelay $0x3  }
0x13a: {  	v19 =	vmax.f32 v12, v13;
	[tilespmem:v15+s15+$0x0] =	vst.idx.msk $0xffff, v12  }
0x13b: {  	vm2 =	vge.f32 v19, v6;
	[tilespmem:v17+s15+$0x0] =	vst.idx.msk $0xffff, v13  }
0x13c: {  	v12 =	vmpcnt.ones.xlane vm2;
	v13 =	vld [tilespmem:s24+$0x100]  }
0x13d: {  	v15 =	vld [tilespmem:s23+$0x50]  }
0x13e: {  	vm2 =	vgt.s32 v12, $0x0  }
0x13f: {  	v12 =	vsel vm2, $0x20, v1  }
0x140: {  	v3 =	vadd.s32 v3, v12  }
0x141: {  	v12 =	vadd.s32 v0, v3  }
0x142: {  	v19 =	vadd.s32 v7, v3;
	v17 =	vmax.f32 v13, v15  }
0x143: {  	vm2 =	vge.f32 v17, v6  }
0x144: {  	v17 =	vmpcnt.ones.xlane vm2;
	_ =	sdelay $0x1  }
0x145: {  	[tilespmem:v12+s15+$0x0] =	vst.idx.msk $0xffff, v13;
	vm2 =	vgt.s32 v17, $0x0  }
0x146: {  	[tilespmem:v19+s15+$0x0] =	vst.idx.msk $0xffff, v15;
	v12 =	vsel vm2, $0x20, v1  }
0x147: {  	v3 =	vadd.s32 v3, v12;
	v12 =	vld [tilespmem:s23+$0x60]  }
0x148: {  	v13 =	vld [tilespmem:s23+$0x70];
	v15 =	vadd.s32 v0, v3  }
0x149: {  	v17 =	vadd.s32 v7, v3;
	_ =	sdelay $0x3  }
0x14a: {  	v19 =	vmax.f32 v12, v13;
	[tilespmem:v15+s15+$0x0] =	vst.idx.msk $0xffff, v12  }
0x14b: {  	vm2 =	vge.f32 v19, v6;
	[tilespmem:v17+s15+$0x0] =	vst.idx.msk $0xffff, v13  }
0x14c: {  	v12 =	vmpcnt.ones.xlane vm2;
	v13 =	vld [tilespmem:s23+$0x80]  }
0x14d: {  	v15 =	vld [tilespmem:s23+$0x90]  }
0x14e: {  	vm2 =	vgt.s32 v12, $0x0  }
0x14f: {  	v12 =	vsel vm2, $0x20, v1  }
0x150: {  	v3 =	vadd.s32 v3, v12  }
0x151: {  	v12 =	vadd.s32 v0, v3  }
0x152: {  	v19 =	vadd.s32 v7, v3;
	v17 =	vmax.f32 v13, v15  }
0x153: {  	vm2 =	vge.f32 v17, v6  }
0x154: {  	v17 =	vmpcnt.ones.xlane vm2;
	_ =	sdelay $0x1  }
0x155: {  	[tilespmem:v12+s15+$0x0] =	vst.idx.msk $0xffff, v13;
	vm2 =	vgt.s32 v17, $0x0  }
0x156: {  	[tilespmem:v19+s15+$0x0] =	vst.idx.msk $0xffff, v15;
	v12 =	vsel vm2, $0x20, v1  }
0x157: {  	v3 =	vadd.s32 v3, v12;
	v12 =	vld [tilespmem:s23+$0xA0]  }
0x158: {  	v13 =	vld [tilespmem:s23+$0xB0];
	v15 =	vadd.s32 v0, v3  }
0x159: {  	v17 =	vadd.s32 v7, v3;
	_ =	sdelay $0x3  }
0x15a: {  	[tilespmem:v15+s15+$0x0] =	vst.idx.msk $0xffff, v12;
	v12 =	vmax.f32 v12, v13  }
0x15b: {  	vm2 =	vge.f32 v12, v6;
	[tilespmem:v17+s15+$0x0] =	vst.idx.msk $0xffff, v13  }
0x15c: {  	v12 =	vmpcnt.ones.xlane vm2;
	v13 =	vld [tilespmem:s24+$0x180];
	_ =	sdelay $0x1  }
0x15d: {  	vm2 =	vgt.s32 v12, $0x0  }
0x15e: {  	v12 =	vsel vm2, $0x20, v1  }
0x15f: {  	v3 =	vadd.s32 v3, v12  }
0x160: {  	p0 =	sne.s32 s22, $0xC1C0;
	vm2 =	vge.f32 v13, v6;
	v12 =	vadd.s32 v0, v3  }
.Ltmp6:
0x161: {  	v15 =	vmpcnt.ones.xlane vm2;
	(pc) =	sbr.rel @p0 .LBB2_7-.Ltmp6, $4  }
0x162: {  	_ = 	snop  }
0x163: {  	vm2 =	vgt.s32 v15, $0x0  }
0x164: {  	v15 =	vsel vm2, $0x10, v1  }
0x165: {  	s22 =	sadd.s32 $0x190, s22;
	s23 =	sadd.s32 $0x190, s23;
	[tilespmem:v12+s15+$0x0] =	vst.idx.msk $0xffff, v13;
	v12 =	vadd.s32 v3, v15  }
0x166: {  	v3 =	vadd.f32 v16, v8  }
0x167: {  	v8 =	vadd.f32 v18, v9  }
0x168: {  	v3 =	vadd.f32 v14, v3  }
0x169: {  	v8 =	vadd.f32 v26, v8  }
0x16a: {  	v3 =	vadd.f32 v10, v3  }
0x16b: {  	v8 =	vadd.f32 v11, v8  }
0x16c: {  	(xrf2) =	vadd.scan.msk.f32 $0xffff, v3  }
0x16d: {  	(xrf2) =	vadd.scan.msk.f32 $0xffff, v8;
	_ =	sdelay $0x8  }
0x16e: {  	v3, _, _ =	vpop (xrf2)  }
0x16f: {  	(v2sf) =	vpush v3, $0xF;
	v3, _, _ =	vpop (xrf2)  }
0x170: {  	(v2sf) =	vpush v3, $0xF;
	_ =	sdelay $0x6  }
0x171: {  	p0 =	seq.s32 s18, $0x1F  }
0x172: {  	s20 =	smul.u32 @!p0 $0x186A0, s20;
	_ =	sdelay $0x1  }
0x173: {  	s20 =	sshrl.u32 @!p0 s20, $0x3  }
0x174: {  	s23 =	sadd.s32 @!p0 s3, s20  }
0x175: {  	s22 =	simm.s32 @!p0 $0x0;
	s20 =	sadd.s32 @!p0 $0x30D4, s23  }
0x176: {  	[tilespmem:s22], [sflag:$0x1] =	stream.linear.gather @!p0 [hbm4b:s20+s22], $0xC350, $0x38;
	[tilespmem:$0x1D800] =	vst v63  }
0x177: {  	s22 =	spop (v2sf)  }
0x178: {  	s24 =	simm.s32 $0x0;
	s25 =	simm.s32 $0xC440;
	s20 =	spop (v2sf)  }
.LBB2_9:
0x179: {  	v3 =	vld [tilespmem:s25+$0xFFFFFF40]  }
0x17a: {  	v8 =	vld [tilespmem:s25+$0xFFFFFF50];
	_ =	sdelay $0x1  }
0x17b: {  	vm2 =	vlt.s32 v12, $0x4E60  }
0x17c: {  	v9 =	vnsel vm2, $0x4E60, v12  }
0x17d: {  	v10 =	vadd.s32 v0, v9  }
0x17e: {  	v12 =	vadd.s32 v7, v9;
	v11 =	vmax.f32 v3, v8  }
0x17f: {  	vm2 =	vge.f32 v11, v6  }
0x180: {  	v11 =	vmpcnt.ones.xlane vm2;
	_ =	sdelay $0x1  }
0x181: {  	[tilespmem:v10+s15+$0x0] =	vst.idx.msk $0xffff, v3;
	vm2 =	vgt.s32 v11, $0x0  }
0x182: {  	[tilespmem:v12+s15+$0x0] =	vst.idx.msk $0xffff, v8;
	v3 =	vsel vm2, $0x20, v1  }
0x183: {  	v8 =	vld [tilespmem:s25+$0xFFFFFF60];
	v3 =	vadd.s32 v9, v3  }
0x184: {  	v45 =	vld [tilespmem:s25+$0xFFFFFF70];
	v46 =	vadd.s32 v0, v3  }
0x185: {  	v47 =	vadd.s32 v7, v3;
	_ =	sdelay $0x3  }
0x186: {  	v12 =	vmax.f32 v8, v45;
	[tilespmem:v46+s15+$0x0] =	vst.idx.msk $0xffff, v8  }
0x187: {  	vm2 =	vge.f32 v12, v6;
	[tilespmem:v47+s15+$0x0] =	vst.idx.msk $0xffff, v45  }
0x188: {  	v8 =	vmpcnt.ones.xlane vm2;
	v9 =	vld [tilespmem:s25+$0xFFFFFF80]  }
0x189: {  	v10 =	vld [tilespmem:s25+$0xFFFFFF90]  }
0x18a: {  	vm2 =	vgt.s32 v8, $0x0  }
0x18b: {  	v8 =	vsel vm2, $0x20, v1  }
0x18c: {  	v3 =	vadd.s32 v3, v8  }
0x18d: {  	v8 =	vadd.s32 v0, v3  }
0x18e: {  	v12 =	vadd.s32 v7, v3;
	v48 =	vmax.f32 v9, v10  }
0x18f: {  	vm2 =	vge.f32 v48, v6  }
0x190: {  	v11 =	vmpcnt.ones.xlane vm2;
	_ =	sdelay $0x1  }
0x191: {  	[tilespmem:v8+s15+$0x0] =	vst.idx.msk $0xffff, v9;
	vm2 =	vgt.s32 v11, $0x0  }
0x192: {  	[tilespmem:v12+s15+$0x0] =	vst.idx.msk $0xffff, v10;
	v8 =	vsel vm2, $0x20, v1  }
0x193: {  	v9 =	vld [tilespmem:s25+$0xFFFFFFB0];
	v3 =	vadd.s32 v3, v8  }
0x194: {  	v8 =	vld [tilespmem:s25+$0xFFFFFFA0];
	v49 =	vadd.s32 v0, v3  }
0x195: {  	v50 =	vadd.s32 v7, v3;
	_ =	sdelay $0x3  }
0x196: {  	v12 =	vmax.f32 v8, v9;
	[tilespmem:v49+s15+$0x0] =	vst.idx.msk $0xffff, v8  }
0x197: {  	s26 =	sand.u32 $0xFFF0, s24;
	vm2 =	vge.f32 v12, v6;
	[tilespmem:v50+s15+$0x0] =	vst.idx.msk $0xffff, v9  }
0x198: {  	v8 =	vmpcnt.ones.xlane vm2;
	v9 =	vld [tilespmem:s26+$0xC400]  }
0x199: {  	v10 =	vld [tilespmem:s25+$0xFFFFFFD0]  }
0x19a: {  	vm2 =	vgt.s32 v8, $0x0  }
0x19b: {  	v8 =	vsel vm2, $0x20, v1  }
0x19c: {  	v3 =	vadd.s32 v3, v8  }
0x19d: {  	v8 =	vadd.s32 v0, v3  }
0x19e: {  	v12 =	vadd.s32 v7, v3;
	v51 =	vmax.f32 v9, v10  }
0x19f: {  	vm2 =	vge.f32 v51, v6  }
0x1a0: {  	v11 =	vmpcnt.ones.xlane vm2;
	_ =	sdelay $0x1  }
0x1a1: {  	[tilespmem:v8+s15+$0x0] =	vst.idx.msk $0xffff, v9;
	vm2 =	vgt.s32 v11, $0x0  }
0x1a2: {  	[tilespmem:v12+s15+$0x0] =	vst.idx.msk $0xffff, v10;
	v8 =	vsel vm2, $0x20, v1  }
0x1a3: {  	v3 =	vadd.s32 v3, v8;
	v8 =	vld [tilespmem:s25+$0xFFFFFFE0]  }
0x1a4: {  	v9 =	vld [tilespmem:s25+$0xFFFFFFF0];
	v52 =	vadd.s32 v0, v3  }
0x1a5: {  	v53 =	vadd.s32 v7, v3;
	_ =	sdelay $0x3  }
0x1a6: {  	v12 =	vmax.f32 v8, v9;
	[tilespmem:v52+s15+$0x0] =	vst.idx.msk $0xffff, v8  }
0x1a7: {  	vm2 =	vge.f32 v12, v6;
	[tilespmem:v53+s15+$0x0] =	vst.idx.msk $0xffff, v9  }
0x1a8: {  	v8 =	vmpcnt.ones.xlane vm2;
	v9 =	vld [tilespmem:s25+$0x0]  }
0x1a9: {  	v10 =	vld [tilespmem:s25+$0x10]  }
0x1aa: {  	vm2 =	vgt.s32 v8, $0x0  }
0x1ab: {  	v8 =	vsel vm2, $0x20, v1  }
0x1ac: {  	v3 =	vadd.s32 v3, v8  }
0x1ad: {  	v8 =	vadd.s32 v0, v3  }
0x1ae: {  	v12 =	vadd.s32 v7, v3;
	v54 =	vmax.f32 v9, v10  }
0x1af: {  	vm2 =	vge.f32 v54, v6  }
0x1b0: {  	v11 =	vmpcnt.ones.xlane vm2;
	_ =	sdelay $0x1  }
0x1b1: {  	[tilespmem:v8+s15+$0x0] =	vst.idx.msk $0xffff, v9;
	vm2 =	vgt.s32 v11, $0x0  }
0x1b2: {  	[tilespmem:v12+s15+$0x0] =	vst.idx.msk $0xffff, v10;
	v8 =	vsel vm2, $0x20, v1  }
0x1b3: {  	v3 =	vadd.s32 v3, v8;
	v8 =	vld [tilespmem:s25+$0x20]  }
0x1b4: {  	v9 =	vld [tilespmem:s25+$0x30];
	v55 =	vadd.s32 v0, v3  }
0x1b5: {  	v56 =	vadd.s32 v7, v3;
	_ =	sdelay $0x3  }
0x1b6: {  	v12 =	vmax.f32 v8, v9;
	[tilespmem:v55+s15+$0x0] =	vst.idx.msk $0xffff, v8  }
0x1b7: {  	vm2 =	vge.f32 v12, v6;
	[tilespmem:v56+s15+$0x0] =	vst.idx.msk $0xffff, v9  }
0x1b8: {  	v8 =	vmpcnt.ones.xlane vm2;
	v9 =	vld [tilespmem:s26+$0xC480]  }
0x1b9: {  	v10 =	vld [tilespmem:s25+$0x50]  }
0x1ba: {  	vm2 =	vgt.s32 v8, $0x0  }
0x1bb: {  	v8 =	vsel vm2, $0x20, v1  }
0x1bc: {  	v3 =	vadd.s32 v3, v8  }
0x1bd: {  	v8 =	vadd.s32 v0, v3  }
0x1be: {  	v12 =	vadd.s32 v7, v3;
	v57 =	vmax.f32 v9, v10  }
0x1bf: {  	vm2 =	vge.f32 v57, v6  }
0x1c0: {  	v11 =	vmpcnt.ones.xlane vm2;
	_ =	sdelay $0x1  }
0x1c1: {  	[tilespmem:v8+s15+$0x0] =	vst.idx.msk $0xffff, v9;
	vm2 =	vgt.s32 v11, $0x0  }
0x1c2: {  	[tilespmem:v12+s15+$0x0] =	vst.idx.msk $0xffff, v10;
	v8 =	vsel vm2, $0x20, v1  }
0x1c3: {  	v3 =	vadd.s32 v3, v8;
	v8 =	vld [tilespmem:s25+$0x60]  }
0x1c4: {  	v9 =	vld [tilespmem:s25+$0x70];
	v58 =	vadd.s32 v0, v3  }
0x1c5: {  	v59 =	vadd.s32 v7, v3;
	_ =	sdelay $0x3  }
0x1c6: {  	v12 =	vmax.f32 v8, v9;
	[tilespmem:v58+s15+$0x0] =	vst.idx.msk $0xffff, v8  }
0x1c7: {  	vm2 =	vge.f32 v12, v6;
	[tilespmem:v59+s15+$0x0] =	vst.idx.msk $0xffff, v9  }
0x1c8: {  	v8 =	vmpcnt.ones.xlane vm2;
	v9 =	vld [tilespmem:s25+$0x80]  }
0x1c9: {  	v10 =	vld [tilespmem:s25+$0x90]  }
0x1ca: {  	vm2 =	vgt.s32 v8, $0x0  }
0x1cb: {  	v8 =	vsel vm2, $0x20, v1  }
0x1cc: {  	v3 =	vadd.s32 v3, v8  }
0x1cd: {  	v8 =	vadd.s32 v0, v3  }
0x1ce: {  	v12 =	vadd.s32 v7, v3;
	v60 =	vmax.f32 v9, v10  }
0x1cf: {  	vm2 =	vge.f32 v60, v6  }
0x1d0: {  	v11 =	vmpcnt.ones.xlane vm2;
	_ =	sdelay $0x1  }
0x1d1: {  	[tilespmem:v8+s15+$0x0] =	vst.idx.msk $0xffff, v9;
	vm2 =	vgt.s32 v11, $0x0  }
0x1d2: {  	[tilespmem:v12+s15+$0x0] =	vst.idx.msk $0xffff, v10;
	v8 =	vsel vm2, $0x20, v1  }
0x1d3: {  	v3 =	vadd.s32 v3, v8;
	v8 =	vld [tilespmem:s25+$0xA0]  }
0x1d4: {  	v9 =	vld [tilespmem:s25+$0xB0];
	v61 =	vadd.s32 v0, v3  }
0x1d5: {  	v62 =	vadd.s32 v7, v3;
	_ =	sdelay $0x3  }
0x1d6: {  	[tilespmem:v61+s15+$0x0] =	vst.idx.msk $0xffff, v8;
	v8 =	vmax.f32 v8, v9  }
0x1d7: {  	vm2 =	vge.f32 v8, v6;
	[tilespmem:v62+s15+$0x0] =	vst.idx.msk $0xffff, v9  }
0x1d8: {  	v8 =	vmpcnt.ones.xlane vm2;
	v9 =	vld [tilespmem:s26+$0xC500];
	_ =	sdelay $0x1  }
0x1d9: {  	vm2 =	vgt.s32 v8, $0x0  }
0x1da: {  	v8 =	vsel vm2, $0x20, v1  }
0x1db: {  	v3 =	vadd.s32 v3, v8  }
0x1dc: {  	p1 =	sne.s32 s24, $0xC1C0;
	vm2 =	vge.f32 v9, v6;
	v8 =	vadd.s32 v0, v3  }
.Ltmp7:
0x1dd: {  	v63 =	vmpcnt.ones.xlane vm2;
	(pc) =	sbr.rel @p1 .LBB2_9-.Ltmp7, $4  }
0x1de: {  	_ = 	snop  }
0x1df: {  	vm2 =	vgt.s32 v63, $0x0  }
0x1e0: {  	v10 =	vsel vm2, $0x10, v1  }
0x1e1: {  	s24 =	sadd.s32 $0x190, s24;
	s25 =	sadd.s32 $0x190, s25;
	[tilespmem:v8+s15+$0x0] =	vst.idx.msk $0xffff, v9;
	v12 =	vadd.s32 v3, v10  }
0x1e2: {  	(v2sf) =	vpush v12, $0x0;
	_ =	sdelay $0xc  }
0x1e3: {  	s23 =	sadd.s32 @!p0 $0x493E, s23;
	s24 =	simm.s32 @!p0 $0x0;
	s25 =	simm.s32 @!p0 $0xC380  }
0x1e4: {  	[tilespmem:s25], [sflag:$0x2] =	stream.linear.gather @!p0 [hbm4b:s23+s24], $0xC350, $0x38;
	[tilespmem:$0x1D800] =	vst v63  }
0x1e5: {  	s24 =	spop (v2sf)  }
0x1e6: {  	p0 =	slt.s32 s24, $0x5000  }
0x1e7: {  	p1 =	slt.s32 s24, $0xFFFFFFF2;
	s24 =	simm.s32 @!p0 $0x5000  }
0x1e8: {  	s29 =	sadd.s32 $0xF, s24  }
0x1e9: {  	s30 =	sand.u32 $0xF, s29  }
0x1ea: {  	s31 =	sshra.s32 s29, $0x1F;
	p6 =	sne.s32 s30, $0x0  }
.Ltmp8:
0x1eb: {  	s25 =	sshrl.u32 s31, $0x1C;
	p0 =	por !p1, !p6;
	(pc) =	sbr.rel .LBB2_11-.Ltmp8, $4  }
0x1ec: {  	s23 =	sadd.s32 s25, s29;
	s25 =	simm.s32 $0x1;
	p0 =	por !p0, !p0  }
0x1ed: {  	s23 =	sshra.s32 s23, $0x4;
	s25 =	simm.s32 @!p0 $0x0  }
0x1ee: {  	s23 =	ssub.s32 s23, s25  }
0x1ef: {  	s26 =	simm.f32 $-3.000000010e+38;
	v6 =	vmov s24;
	s25 =	simm.s32 $0x0;
	p0 =	slt.s32 s23, $0x1  }
.LBB2_12:
0x1f0: {  	v7 =	vimm.f32 $0.0e+00;
	v8 =	vimm.f32 $0.0e+00  }
.LBB2_16:
0x1f1: {  	(xrf2) =	vadd.scan.msk.f32 $0xffff, v7  }
0x1f2: {  	(xrf2) =	vadd.scan.msk.f32 $0xffff, v8;
	_ =	sdelay $0x8  }
0x1f3: {  	v3, _, _ =	vpop (xrf2)  }
0x1f4: {  	v7, _, _ =	vpop (xrf2)  }
0x1f5: {  	v7 =	vbroadcast v7, $0xF;
	_ =	sdelay $0x1  }
0x1f6: {  	(erf) = vrcp.f32 v7;
	_ =	sdelay $0x7  }
0x1f7: {  	(v2sf) =	vpush v3, $0xF  }
0x1f8: {  	v3 =	vpop (erf)  }
0x1f9: {  	(v2sf) =	vpush v3, $0x0;
	_ =	sdelay $0xc  }
0x1fa: {  	s24 =	spop (v2sf)  }
0x1fb: {  	s24 =	sadd.f32 $-1.000000000e+00, s24  }
0x1fc: {  	s28 =	spop (v2sf)  }
0x1fd: {  	s24 =	smul.f32 s28, s24;
	_ =	sdelay $0x1  }
0x1fe: {  	p1 =	slt.f32 s26, s24;
	p2 =	sgt.f32 s26, s24  }
0x1ff: {  	_ = 	snop  }
0x200: {  	p1 =	por p2, p1  }
0x201: {  	p1 =	por !p1, !p1  }
0x202: {  	p2 =	slt.u32 @!p1 s25, $0x1F  }
0x203: {  	p1 =	por p1, !p2  }
.Ltmp9:
0x204: {  	_ = 	snop;
	(pc) =	sbr.rel @p1 .LBB2_17-.Ltmp9, $2  }
0x205: {  	_ =	sdelay $0x2  }
0x206: {  	s26 =	smov.u32 s24;
	s25 =	sadd.s32 $0x1, s25  }
.LBB2_11:
.Ltmp10:
0x207: {  	(pc) =	sbr.rel @p0 .LBB2_12-.Ltmp10, $1  }
0x208: {  	_ =	sdelay $0x3  }
0x209: {  	s24 =	simm.s32 $0x18700  }
0x20a: {  	p1 =	sne.s32 s23, $0x1;
	v10 =	vld [tilespmem:s24+$0x0]  }
.Ltmp11:
0x20b: {  	_ = 	snop;
	(pc) =	sbr.rel @!p1 .LBB2_15-.Ltmp11, $4  }
0x20c: {  	_ = 	snop  }
0x20d: {  	s24 =	simm.s32 $0x0  }
0x20e: {  	v8 =	vmov s26;
	v7 =	vimm.f32 $0.0e+00;
	v3 =	vor.u32 s24, v0  }
0x20f: {  	s28 =	sadd.s32 $0xFFFFFFFF, s23;
	s29 =	simm.s32 $0x18710;
	v9 =	vimm.f32 $0.0e+00;
	vm2 =	vlt.s32 v3, v6;
	vm3 =	vgt.f32 v10, v8  }
.LBB2_14:
0x210: {  	v3 =	vld [tilespmem:s29+$0x0];
	p1 =	sne.s32 s28, $0x1;
	s28 =	sadd.s32 $0xFFFFFFFF, s28;
	vm2 =	vmand vm2, vm3  }
.Ltmp12:
0x211: {  	v10 =	vnsel vm2, $0x0, v10;
	v11 =	vsel vm2, $0x3F800000, v2;
	(pc) =	sbr.rel @p1 .LBB2_14-.Ltmp12, $4  }
0x212: {  	v7 =	vadd.f32 v10, v7;
	v9 =	vadd.f32 v11, v9  }
0x213: {  	s24 =	sadd.s32 $0x10, s24  }
0x214: {  	v11 =	vor.u32 s24, v0  }
0x215: {  	s29 =	sadd.s32 $0x10, s29;
	vm2 =	vlt.s32 v11, v6;
	vm3 =	vgt.f32 v3, v8;
	v10 =	vmov v3  }
.LBB2_15:
.Ltmp13:
0x216: {  	(pc) =	sbr.rel .LBB2_16-.Ltmp13, $4  }
0x217: {  	vm2 =	vmand vm2, vm3  }
0x218: {  	v3 =	vnsel vm2, $0x0, v10  }
0x219: {  	v8 =	vsel vm2, $0x3F800000, v2;
	v7 =	vadd.f32 v3, v7  }
0x21a: {  	v8 =	vadd.f32 v8, v9  }
.LBB2_17:
.Ltmp14:
0x21b: {  	(pc) =	sbr.rel @p0 .LBB2_18-.Ltmp14, $1  }
0x21c: {  	_ =	sdelay $0x3  }
0x21d: {  	s25 =	simm.s32 $0x18700  }
0x21e: {  	p0 =	sne.s32 s23, $0x1;
	v10 =	vld [tilespmem:s25+$0x0]  }
.Ltmp15:
0x21f: {  	_ = 	snop;
	(pc) =	sbr.rel @!p0 .LBB2_21-.Ltmp15, $4  }
0x220: {  	_ = 	snop  }
0x221: {  	v9 =	vbroadcast v5, $0xF  }
0x222: {  	v7 =	vmov s24  }
0x223: {  	v5 =	vimm.f32 $0.0e+00;
	s23 =	sadd.s32 $0xFFFFFFFF, s23;
	s26 =	simm.s32 $0x18710;
	v8 =	vimm.f32 $0.0e+00;
	s25 =	simm.s32 $0x0;
	v11 =	vsub.f32 v10, v9  }
.LBB2_20:
0x224: {  	v3 =	vld [tilespmem:s26+$0x0];
	p0 =	sne.s32 s23, $0x1;
	s23 =	sadd.s32 $0xFFFFFFFF, s23;
	v12 =	vor.u32 s25, v0  }
.Ltmp16:
0x225: {  	vm3 =	vgt.f32 v10, v7;
	vm2 =	vlt.s32 v12, v6;
	v10 =	vmul.f32 v11, v11;
	(pc) =	sbr.rel @p0 .LBB2_20-.Ltmp16, $4  }
0x226: {  	vm2 =	vmand vm2, vm3  }
0x227: {  	v12 =	vnsel vm2, $0x0, v10;
	v11 =	vsel vm2, $0x3F800000, v2  }
0x228: {  	v5 =	vadd.f32 v12, v5;
	v8 =	vadd.f32 v11, v8  }
0x229: {  	s26 =	sadd.s32 $0x10, s26;
	s25 =	sadd.s32 $0x10, s25;
	v11 =	vsub.f32 v3, v9;
	v10 =	vmov v3  }
.LBB2_21:
0x22a: {  	v3 =	vor.u32 s25, v0  }
.Ltmp17:
0x22b: {  	vm3 =	vgt.f32 v10, v7;
	vm2 =	vlt.s32 v3, v6;
	v3 =	vmul.f32 v11, v11;
	(pc) =	sbr.rel .LBB2_22-.Ltmp17, $4  }
0x22c: {  	vm2 =	vmand vm2, vm3  }
0x22d: {  	v3 =	vnsel vm2, $0x0, v3  }
0x22e: {  	v6 =	vsel vm2, $0x3F800000, v2;
	v5 =	vadd.f32 v3, v5  }
0x22f: {  	v6 =	vadd.f32 v6, v8  }
.LBB2_24:
0x230: {  	_ =	sfence.sel $0x180000  }
0x231: {  	[bflag:$0x0] =	sbarrier.arrive $0xFFFF  }
0x232: {  	p0 =	sne.s32 s0, $0x0;
	_ =	strace $0x90000047  }
0x233: {  	s0 =	sadd.s32 @!p0 $0x100000, s1;
	[bflag:$0x2] =	sbarrier.arrive $0xFFFF  }
0x234: {  	[sflag:s0] =	ssyncadd.tile.s32 @!p0 $0x1;
	_ =	shalt  }
.Lfunc_end2:
_tile_overlayer_lowered:
.L_overlay_start_2:
0x235: {  	(tag) =	ssettag $0x2  }
0x236: {  	s0 =	rddreg [dreg:$0x0];
	s2 =	stileid.u32  }
0x237: {  	s1 =	rddreg [dreg:$0x1];
	p0 =	sne.s32 s2, $0x0  }
0x238: {  	s3 =	rddreg [dreg:$0x2];
	[bflag:$0x3] =	sbarrier.arrive $0xFFFF;
	s2 =	simm.s32 @!p0 $0x1C03  }
0x239: {  	[timem:s3], [sflag:s2] =	dma.local @!p0 [hbm:s0], s1  }
0x23a: {  	s0 =	simm.s32 @!p0 $0x3  }
0x23b: {  	_ =	swait.ge @!p0 [sflag:s0], s1  }
0x23c: {  	s1 =	ssub.s32 @!p0 $0x0, s1;
	[sflag:s0] =	ssyncset.done @!p0 $0x0  }
0x23d: {  	[sflag:s0] =	ssyncadd.s32 @!p0 s1  }
0x23e: {  	[bflag:$0x3] =	sbarrier.arrive $0xFFFF  }
0x23f: {  	_ =	shalt  }

</sc_bundles>
